<compile_context>
chip_gen: v7x
topology: tpu7x:2x2x1
jax: 0.10.2.dev20260603
libtpu: 0.0.44.dev20260713+nightly
codegen_flags: <defaults>
</compile_context>

<pallas_src>
import functools

import jax
import jax.numpy as jnp
from jax import lax
from jax.experimental import pallas as pl
from jax.experimental.pallas import tpu as pltpu
from jax.experimental.pallas import tpu_sc as plsc

B, L, D = 4096, 50, 64
LP = 56
NC, NS = 2, 16
NW = NC * NS
C = 128
NB = 8

_mesh = plsc.VectorSubcoreMesh(core_axis_name="c", subcore_axis_name="s")


@functools.partial(
    pl.kernel,
    mesh=_mesh,
    out_type=jax.ShapeDtypeStruct((B, LP, 128), jnp.float32),
    scratch_types=[
        pltpu.VMEM((L, C), jnp.int32),
        pltpu.VMEM((NB, C, D), jnp.float32),
        pltpu.SemaphoreType.DMA,
        pltpu.SemaphoreType.DMA,
    ],
    compiler_params=pltpu.CompilerParams(use_tc_tiling_on_sc=False),
)
def _embed_sc(idx_hbm, table_hbm, out_hbm, idx_v, rows_v, gsem, ssem):
    wid = lax.axis_index("s") * NC + lax.axis_index("c")
    b0 = wid * C
    pltpu.sync_copy(idx_hbm.at[wid], idx_v)

    def gather(l, slot):
        return pltpu.make_async_copy(
            table_hbm.at[idx_v.at[l]], rows_v.at[slot], gsem)

    def store(l, slot):
        return pltpu.make_async_copy(
            rows_v.at[slot], out_hbm.at[pl.ds(b0, C), l, pl.ds(0, D)], ssem)

    for slot in range(NB):
        gather(slot, slot).start()

    def body(l, carry):
        slot = lax.rem(l, NB)
        gather(l, slot).wait()
        store(l, slot).start()
        l2 = l + NB - 1
        s2 = lax.rem(l2, NB)

        @pl.when(jnp.logical_and(l2 >= NB, l2 < L))
        def _():
            store(l2 - NB, s2).wait()
            gather(l2, s2).start()

        return carry

    lax.fori_loop(0, L, body, 0)
    for i in range(NB):
        store(L - NB + i, (L - NB + i) % NB).wait()


def _tpose_body(x_ref, o_ref):
    for l in range(L):
        x = x_ref[:, l, :]
        t = jnp.transpose(x)
        o_ref[l, :, 0] = t[0:D].reshape(8, 8, C)


_tpose = pl.pallas_call(
    _tpose_body,
    grid=(NW,),
    in_specs=[pl.BlockSpec((C, LP, 128), lambda w: (w, 0, 0))],
    out_specs=pl.BlockSpec((L, 8, 1, 8, C), lambda w: (0, 0, w, 0, 0)),
    out_shape=jax.ShapeDtypeStruct((L, 8, NW, 8, C), jnp.float32),
    compiler_params=pltpu.CompilerParams(dimension_semantics=("parallel",)),
)


def kernel(inputs, table):
    idxw = inputs.T.reshape(L, NW, C).transpose(1, 0, 2)
    pad = _embed_sc(idxw, table)
    out5 = _tpose(pad)
    return out5.transpose(2, 4, 0, 1, 3).reshape(B, L, D)

# --- scband reference (transcript-rebuilt; emitter-appended) ---
"""Pipeline reference for scband-embed-5368709120572 (READ-ONLY COPY).

The authoritative reference and input builder live on the scoring server;
editing this copy changes nothing except your own understanding.
"""

import jax, jax.numpy as jnp
import numpy as np

INPUT_SIZE = 100000
EMBED_DIM = 64

def setup_inputs(seed: int = 0) -> dict:
    key = jax.random.key(seed)
    k1, k2 = jax.random.split(key)
    inputs = jax.random.randint(k1, (4096, 50), 0, INPUT_SIZE, dtype=jnp.int64 if jax.config.jax_enable_x64 else jnp.int32)
    table = jax.random.normal(k2, (INPUT_SIZE, EMBED_DIM), dtype=jnp.float32)
    return {"inputs": inputs, "table": table}

def reference(inputs, table):
    # inputs: [B, L] -> single batch dim, no flatten needed
    out = jnp.take(table, inputs, axis=0)  # [B, L, D]
    out = jnp.squeeze(out)
    return out

if __name__ == "__main__":
    import jax
    _d = setup_inputs()
    print(jax.jit(kernel)(*tuple(_d.values())))

</pallas_src>

<mosaic_0001>
#map = affine_map<(d0, d1) -> (0, 0, 0)>
#map1 = affine_map<(d0, d1) -> (0, 0)>
module attributes {stable_mosaic.version = 14 : i64} {
  func.func @_embed_sc(%arg0: i32, %arg1: i32, %arg2: memref<32x50x128xi32, #tpu.memory_space<hbm>>, %arg3: memref<100000x64xf32, #tpu.memory_space<hbm>>, %arg4: memref<4096x56x128xf32, #tpu.memory_space<hbm>>, %arg5: memref<50x128xi32, #tpu.memory_space<vmem>>, %arg6: memref<8x128x64xf32, #tpu.memory_space<vmem>>, %arg7: memref<!tpu.dma_semaphore, #tpu.memory_space<semaphore_mem>>, %arg8: memref<!tpu.dma_semaphore, #tpu.memory_space<semaphore_mem>>) attributes {dimension_semantics = [#tpu.dimension_semantics<core_parallel>, #tpu.dimension_semantics<subcore_parallel>], iteration_bounds = array<i64: 2, 16>, scalar_prefetch = 0 : i64, scratch_operands = 4 : i64, tpu.core_type = #tpu.core_type<sc_vector_subcore>, window_params = [{transform_indices = #map}, {transform_indices = #map1}, {transform_indices = #map}]} {
    %mul3A = arith.constant 2 : i32
    %mul3A_0 = arith.muli %arg1, %mul3A : i32
    %add3A = arith.addi %mul3A_0, %arg0 : i32
    %mul3A_1 = arith.constant 128 : i32
    %mul3A_2 = arith.muli %add3A, %mul3A_1 : i32
    "tpu.region"() ({
      %run_scoped3A = tpu.sem_alloc : memref<!tpu.dma_semaphore, #tpu.memory_space<semaphore_mem>>
      %dma_start3A_230 = arith.constant 0 : i32
      %dma_start3A_231 = arith.constant 0 : i32
      %dma_start3A_232 = tpu.memref_slice %arg2[%add3A, %dma_start3A_230, %dma_start3A_231] : memref<32x50x128xi32, #tpu.memory_space<hbm>> -> memref<1x50x128xi32, #tpu.memory_space<hbm>>
      %dma_start3A_233 = tpu.memref_squeeze %dma_start3A_232 : memref<1x50x128xi32, #tpu.memory_space<hbm>> -> memref<50x128xi32, #tpu.memory_space<hbm>>
      %dma_start3A_234 = arith.constant 0 : i32
      %dma_start3A_235 = arith.constant 0 : i32
      %dma_start3A_236 = tpu.memref_slice %arg2[%add3A, %dma_start3A_234, %dma_start3A_235] : memref<32x50x128xi32, #tpu.memory_space<hbm>> -> memref<1x50x128xi32, #tpu.memory_space<hbm>>
      %dma_start3A_237 = tpu.memref_squeeze %dma_start3A_236 : memref<1x50x128xi32, #tpu.memory_space<hbm>> -> memref<50x128xi32, #tpu.memory_space<hbm>>
      tpu.enqueue_dma source(%dma_start3A_237 : memref<50x128xi32, #tpu.memory_space<hbm>>) target(%arg5 : memref<50x128xi32, #tpu.memory_space<vmem>>) target_semaphore(%run_scoped3A : memref<!tpu.dma_semaphore, #tpu.memory_space<semaphore_mem>>)
      %dma_wait3A_238 = arith.constant 0 : i32
      %dma_wait3A_239 = arith.constant 0 : i32
      %dma_wait3A_240 = tpu.memref_slice %arg2[%add3A, %dma_wait3A_238, %dma_wait3A_239] : memref<32x50x128xi32, #tpu.memory_space<hbm>> -> memref<1x50x128xi32, #tpu.memory_space<hbm>>
      %dma_wait3A_241 = tpu.memref_squeeze %dma_wait3A_240 : memref<1x50x128xi32, #tpu.memory_space<hbm>> -> memref<50x128xi32, #tpu.memory_space<hbm>>
      %dma_wait3A_242 = arith.constant 0 : i32
      %dma_wait3A_243 = arith.constant 0 : i32
      %dma_wait3A_244 = tpu.memref_slice %arg2[%add3A, %dma_wait3A_242, %dma_wait3A_243] : memref<32x50x128xi32, #tpu.memory_space<hbm>> -> memref<1x50x128xi32, #tpu.memory_space<hbm>>
      %dma_wait3A_245 = tpu.memref_squeeze %dma_wait3A_244 : memref<1x50x128xi32, #tpu.memory_space<hbm>> -> memref<50x128xi32, #tpu.memory_space<hbm>>
      tpu.wait_dma2 semaphore(%run_scoped3A : memref<!tpu.dma_semaphore, #tpu.memory_space<semaphore_mem>>) src(%dma_wait3A_245 : memref<50x128xi32, #tpu.memory_space<hbm>>) dst(%arg5 : memref<50x128xi32, #tpu.memory_space<vmem>>)
      tpu.yield
    }) : () -> ()
    %dma_start3A = arith.constant 0 : i32
    %dma_start3A_3 = arith.constant 0 : i32
    %dma_start3A_4 = arith.constant 0 : i32
    %dma_start3A_5 = arith.constant 0 : i32
    %dma_start3A_6 = tpu.memref_slice %arg6[%dma_start3A_3, %dma_start3A_4, %dma_start3A_5] : memref<8x128x64xf32, #tpu.memory_space<vmem>> -> memref<1x128x64xf32, #tpu.memory_space<vmem>>
    %dma_start3A_7 = tpu.memref_squeeze %dma_start3A_6 : memref<1x128x64xf32, #tpu.memory_space<vmem>> -> memref<128x64xf32, #tpu.memory_space<vmem>>
    %dma_start3A_8 = arith.constant 0 : i32
    %dma_start3A_9 = tpu.memref_slice %arg5[%dma_start3A, %dma_start3A_8] : memref<50x128xi32, #tpu.memory_space<vmem>> -> memref<1x128xi32, #tpu.memory_space<vmem>>
    %dma_start3A_10 = tpu.memref_squeeze %dma_start3A_9 : memref<1x128xi32, #tpu.memory_space<vmem>> -> memref<128xi32, #tpu.memory_space<vmem>>
    %dma_start3A_11 = arith.constant 0 : i32
    %dma_start3A_12 = arith.constant 0 : i32
    %dma_start3A_13 = tpu.memref_slice %arg3[%dma_start3A_11, %dma_start3A_12] : memref<100000x64xf32, #tpu.memory_space<hbm>> -> memref<100000x64xf32, #tpu.memory_space<hbm>>
    tpu.enqueue_indirect_dma source(%dma_start3A_13 : memref<100000x64xf32, #tpu.memory_space<hbm>>) target(%dma_start3A_7 : memref<128x64xf32, #tpu.memory_space<vmem>>) offsets(%dma_start3A_10 : memref<128xi32, #tpu.memory_space<vmem>>) semaphore(%arg7 : memref<!tpu.dma_semaphore, #tpu.memory_space<semaphore_mem>>)
    %dma_start3A_14 = arith.constant 1 : i32
    %dma_start3A_15 = arith.constant 1 : i32
    %dma_start3A_16 = arith.constant 0 : i32
    %dma_start3A_17 = arith.constant 0 : i32
    %dma_start3A_18 = tpu.memref_slice %arg6[%dma_start3A_15, %dma_start3A_16, %dma_start3A_17] : memref<8x128x64xf32, #tpu.memory_space<vmem>> -> memref<1x128x64xf32, #tpu.memory_space<vmem>>
    %dma_start3A_19 = tpu.memref_squeeze %dma_start3A_18 : memref<1x128x64xf32, #tpu.memory_space<vmem>> -> memref<128x64xf32, #tpu.memory_space<vmem>>
    %dma_start3A_20 = arith.constant 0 : i32
    %dma_start3A_21 = tpu.memref_slice %arg5[%dma_start3A_14, %dma_start3A_20] : memref<50x128xi32, #tpu.memory_space<vmem>> -> memref<1x128xi32, #tpu.memory_space<vmem>>
    %dma_start3A_22 = tpu.memref_squeeze %dma_start3A_21 : memref<1x128xi32, #tpu.memory_space<vmem>> -> memref<128xi32, #tpu.memory_space<vmem>>
    %dma_start3A_23 = arith.constant 0 : i32
    %dma_start3A_24 = arith.constant 0 : i32
    %dma_start3A_25 = tpu.memref_slice %arg3[%dma_start3A_23, %dma_start3A_24] : memref<100000x64xf32, #tpu.memory_space<hbm>> -> memref<100000x64xf32, #tpu.memory_space<hbm>>
    tpu.enqueue_indirect_dma source(%dma_start3A_25 : memref<100000x64xf32, #tpu.memory_space<hbm>>) target(%dma_start3A_19 : memref<128x64xf32, #tpu.memory_space<vmem>>) offsets(%dma_start3A_22 : memref<128xi32, #tpu.memory_space<vmem>>) semaphore(%arg7 : memref<!tpu.dma_semaphore, #tpu.memory_space<semaphore_mem>>)
    %dma_start3A_26 = arith.constant 2 : i32
    %dma_start3A_27 = arith.constant 2 : i32
    %dma_start3A_28 = arith.constant 0 : i32
    %dma_start3A_29 = arith.constant 0 : i32
    %dma_start3A_30 = tpu.memref_slice %arg6[%dma_start3A_27, %dma_start3A_28, %dma_start3A_29] : memref<8x128x64xf32, #tpu.memory_space<vmem>> -> memref<1x128x64xf32, #tpu.memory_space<vmem>>
    %dma_start3A_31 = tpu.memref_squeeze %dma_start3A_30 : memref<1x128x64xf32, #tpu.memory_space<vmem>> -> memref<128x64xf32, #tpu.memory_space<vmem>>
    %dma_start3A_32 = arith.constant 0 : i32
    %dma_start3A_33 = tpu.memref_slice %arg5[%dma_start3A_26, %dma_start3A_32] : memref<50x128xi32, #tpu.memory_space<vmem>> -> memref<1x128xi32, #tpu.memory_space<vmem>>
    %dma_start3A_34 = tpu.memref_squeeze %dma_start3A_33 : memref<1x128xi32, #tpu.memory_space<vmem>> -> memref<128xi32, #tpu.memory_space<vmem>>
    %dma_start3A_35 = arith.constant 0 : i32
    %dma_start3A_36 = arith.constant 0 : i32
    %dma_start3A_37 = tpu.memref_slice %arg3[%dma_start3A_35, %dma_start3A_36] : memref<100000x64xf32, #tpu.memory_space<hbm>> -> memref<100000x64xf32, #tpu.memory_space<hbm>>
    tpu.enqueue_indirect_dma source(%dma_start3A_37 : memref<100000x64xf32, #tpu.memory_space<hbm>>) target(%dma_start3A_31 : memref<128x64xf32, #tpu.memory_space<vmem>>) offsets(%dma_start3A_34 : memref<128xi32, #tpu.memory_space<vmem>>) semaphore(%arg7 : memref<!tpu.dma_semaphore, #tpu.memory_space<semaphore_mem>>)
    %dma_start3A_38 = arith.constant 3 : i32
    %dma_start3A_39 = arith.constant 3 : i32
    %dma_start3A_40 = arith.constant 0 : i32
    %dma_start3A_41 = arith.constant 0 : i32
    %dma_start3A_42 = tpu.memref_slice %arg6[%dma_start3A_39, %dma_start3A_40, %dma_start3A_41] : memref<8x128x64xf32, #tpu.memory_space<vmem>> -> memref<1x128x64xf32, #tpu.memory_space<vmem>>
    %dma_start3A_43 = tpu.memref_squeeze %dma_start3A_42 : memref<1x128x64xf32, #tpu.memory_space<vmem>> -> memref<128x64xf32, #tpu.memory_space<vmem>>
    %dma_start3A_44 = arith.constant 0 : i32
    %dma_start3A_45 = tpu.memref_slice %arg5[%dma_start3A_38, %dma_start3A_44] : memref<50x128xi32, #tpu.memory_space<vmem>> -> memref<1x128xi32, #tpu.memory_space<vmem>>
    %dma_start3A_46 = tpu.memref_squeeze %dma_start3A_45 : memref<1x128xi32, #tpu.memory_space<vmem>> -> memref<128xi32, #tpu.memory_space<vmem>>
    %dma_start3A_47 = arith.constant 0 : i32
    %dma_start3A_48 = arith.constant 0 : i32
    %dma_start3A_49 = tpu.memref_slice %arg3[%dma_start3A_47, %dma_start3A_48] : memref<100000x64xf32, #tpu.memory_space<hbm>> -> memref<100000x64xf32, #tpu.memory_space<hbm>>
    tpu.enqueue_indirect_dma source(%dma_start3A_49 : memref<100000x64xf32, #tpu.memory_space<hbm>>) target(%dma_start3A_43 : memref<128x64xf32, #tpu.memory_space<vmem>>) offsets(%dma_start3A_46 : memref<128xi32, #tpu.memory_space<vmem>>) semaphore(%arg7 : memref<!tpu.dma_semaphore, #tpu.memory_space<semaphore_mem>>)
    %dma_start3A_50 = arith.constant 4 : i32
    %dma_start3A_51 = arith.constant 4 : i32
    %dma_start3A_52 = arith.constant 0 : i32
    %dma_start3A_53 = arith.constant 0 : i32
    %dma_start3A_54 = tpu.memref_slice %arg6[%dma_start3A_51, %dma_start3A_52, %dma_start3A_53] : memref<8x128x64xf32, #tpu.memory_space<vmem>> -> memref<1x128x64xf32, #tpu.memory_space<vmem>>
    %dma_start3A_55 = tpu.memref_squeeze %dma_start3A_54 : memref<1x128x64xf32, #tpu.memory_space<vmem>> -> memref<128x64xf32, #tpu.memory_space<vmem>>
    %dma_start3A_56 = arith.constant 0 : i32
    %dma_start3A_57 = tpu.memref_slice %arg5[%dma_start3A_50, %dma_start3A_56] : memref<50x128xi32, #tpu.memory_space<vmem>> -> memref<1x128xi32, #tpu.memory_space<vmem>>
    %dma_start3A_58 = tpu.memref_squeeze %dma_start3A_57 : memref<1x128xi32, #tpu.memory_space<vmem>> -> memref<128xi32, #tpu.memory_space<vmem>>
    %dma_start3A_59 = arith.constant 0 : i32
    %dma_start3A_60 = arith.constant 0 : i32
    %dma_start3A_61 = tpu.memref_slice %arg3[%dma_start3A_59, %dma_start3A_60] : memref<100000x64xf32, #tpu.memory_space<hbm>> -> memref<100000x64xf32, #tpu.memory_space<hbm>>
    tpu.enqueue_indirect_dma source(%dma_start3A_61 : memref<100000x64xf32, #tpu.memory_space<hbm>>) target(%dma_start3A_55 : memref<128x64xf32, #tpu.memory_space<vmem>>) offsets(%dma_start3A_58 : memref<128xi32, #tpu.memory_space<vmem>>) semaphore(%arg7 : memref<!tpu.dma_semaphore, #tpu.memory_space<semaphore_mem>>)
    %dma_start3A_62 = arith.constant 5 : i32
    %dma_start3A_63 = arith.constant 5 : i32
    %dma_start3A_64 = arith.constant 0 : i32
    %dma_start3A_65 = arith.constant 0 : i32
    %dma_start3A_66 = tpu.memref_slice %arg6[%dma_start3A_63, %dma_start3A_64, %dma_start3A_65] : memref<8x128x64xf32, #tpu.memory_space<vmem>> -> memref<1x128x64xf32, #tpu.memory_space<vmem>>
    %dma_start3A_67 = tpu.memref_squeeze %dma_start3A_66 : memref<1x128x64xf32, #tpu.memory_space<vmem>> -> memref<128x64xf32, #tpu.memory_space<vmem>>
    %dma_start3A_68 = arith.constant 0 : i32
    %dma_start3A_69 = tpu.memref_slice %arg5[%dma_start3A_62, %dma_start3A_68] : memref<50x128xi32, #tpu.memory_space<vmem>> -> memref<1x128xi32, #tpu.memory_space<vmem>>
    %dma_start3A_70 = tpu.memref_squeeze %dma_start3A_69 : memref<1x128xi32, #tpu.memory_space<vmem>> -> memref<128xi32, #tpu.memory_space<vmem>>
    %dma_start3A_71 = arith.constant 0 : i32
    %dma_start3A_72 = arith.constant 0 : i32
    %dma_start3A_73 = tpu.memref_slice %arg3[%dma_start3A_71, %dma_start3A_72] : memref<100000x64xf32, #tpu.memory_space<hbm>> -> memref<100000x64xf32, #tpu.memory_space<hbm>>
    tpu.enqueue_indirect_dma source(%dma_start3A_73 : memref<100000x64xf32, #tpu.memory_space<hbm>>) target(%dma_start3A_67 : memref<128x64xf32, #tpu.memory_space<vmem>>) offsets(%dma_start3A_70 : memref<128xi32, #tpu.memory_space<vmem>>) semaphore(%arg7 : memref<!tpu.dma_semaphore, #tpu.memory_space<semaphore_mem>>)
    %dma_start3A_74 = arith.constant 6 : i32
    %dma_start3A_75 = arith.constant 6 : i32
    %dma_start3A_76 = arith.constant 0 : i32
    %dma_start3A_77 = arith.constant 0 : i32
    %dma_start3A_78 = tpu.memref_slice %arg6[%dma_start3A_75, %dma_start3A_76, %dma_start3A_77] : memref<8x128x64xf32, #tpu.memory_space<vmem>> -> memref<1x128x64xf32, #tpu.memory_space<vmem>>
    %dma_start3A_79 = tpu.memref_squeeze %dma_start3A_78 : memref<1x128x64xf32, #tpu.memory_space<vmem>> -> memref<128x64xf32, #tpu.memory_space<vmem>>
    %dma_start3A_80 = arith.constant 0 : i32
    %dma_start3A_81 = tpu.memref_slice %arg5[%dma_start3A_74, %dma_start3A_80] : memref<50x128xi32, #tpu.memory_space<vmem>> -> memref<1x128xi32, #tpu.memory_space<vmem>>
    %dma_start3A_82 = tpu.memref_squeeze %dma_start3A_81 : memref<1x128xi32, #tpu.memory_space<vmem>> -> memref<128xi32, #tpu.memory_space<vmem>>
    %dma_start3A_83 = arith.constant 0 : i32
    %dma_start3A_84 = arith.constant 0 : i32
    %dma_start3A_85 = tpu.memref_slice %arg3[%dma_start3A_83, %dma_start3A_84] : memref<100000x64xf32, #tpu.memory_space<hbm>> -> memref<100000x64xf32, #tpu.memory_space<hbm>>
    tpu.enqueue_indirect_dma source(%dma_start3A_85 : memref<100000x64xf32, #tpu.memory_space<hbm>>) target(%dma_start3A_79 : memref<128x64xf32, #tpu.memory_space<vmem>>) offsets(%dma_start3A_82 : memref<128xi32, #tpu.memory_space<vmem>>) semaphore(%arg7 : memref<!tpu.dma_semaphore, #tpu.memory_space<semaphore_mem>>)
    %dma_start3A_86 = arith.constant 7 : i32
    %dma_start3A_87 = arith.constant 7 : i32
    %dma_start3A_88 = arith.constant 0 : i32
    %dma_start3A_89 = arith.constant 0 : i32
    %dma_start3A_90 = tpu.memref_slice %arg6[%dma_start3A_87, %dma_start3A_88, %dma_start3A_89] : memref<8x128x64xf32, #tpu.memory_space<vmem>> -> memref<1x128x64xf32, #tpu.memory_space<vmem>>
    %dma_start3A_91 = tpu.memref_squeeze %dma_start3A_90 : memref<1x128x64xf32, #tpu.memory_space<vmem>> -> memref<128x64xf32, #tpu.memory_space<vmem>>
    %dma_start3A_92 = arith.constant 0 : i32
    %dma_start3A_93 = tpu.memref_slice %arg5[%dma_start3A_86, %dma_start3A_92] : memref<50x128xi32, #tpu.memory_space<vmem>> -> memref<1x128xi32, #tpu.memory_space<vmem>>
    %dma_start3A_94 = tpu.memref_squeeze %dma_start3A_93 : memref<1x128xi32, #tpu.memory_space<vmem>> -> memref<128xi32, #tpu.memory_space<vmem>>
    %dma_start3A_95 = arith.constant 0 : i32
    %dma_start3A_96 = arith.constant 0 : i32
    %dma_start3A_97 = tpu.memref_slice %arg3[%dma_start3A_95, %dma_start3A_96] : memref<100000x64xf32, #tpu.memory_space<hbm>> -> memref<100000x64xf32, #tpu.memory_space<hbm>>
    tpu.enqueue_indirect_dma source(%dma_start3A_97 : memref<100000x64xf32, #tpu.memory_space<hbm>>) target(%dma_start3A_91 : memref<128x64xf32, #tpu.memory_space<vmem>>) offsets(%dma_start3A_94 : memref<128xi32, #tpu.memory_space<vmem>>) semaphore(%arg7 : memref<!tpu.dma_semaphore, #tpu.memory_space<semaphore_mem>>)
    %scan3A = arith.constant 0 : i32
    %scan3A_98 = arith.constant 0 : i32
    %scan3A_99 = arith.constant 50 : i32
    %scan3A_100 = arith.addi %scan3A_98, %scan3A_99 : i32
    %scan3A_101 = arith.constant 1 : i32
    scf.for %scan3A_230 = %scan3A_98 to %scan3A_100 step %scan3A_101  : i32 {
      %rem3A = arith.constant 8 : i32
      %rem3A_231 = arith.remsi %scan3A_230, %rem3A : i32
      %dma_wait3A_232 = arith.constant 0 : i32
      %dma_wait3A_233 = arith.constant 0 : i32
      %dma_wait3A_234 = tpu.memref_slice %arg6[%rem3A_231, %dma_wait3A_232, %dma_wait3A_233] : memref<8x128x64xf32, #tpu.memory_space<vmem>> -> memref<1x128x64xf32, #tpu.memory_space<vmem>>
      %dma_wait3A_235 = tpu.memref_squeeze %dma_wait3A_234 : memref<1x128x64xf32, #tpu.memory_space<vmem>> -> memref<128x64xf32, #tpu.memory_space<vmem>>
      %dma_wait3A_236 = arith.constant 0 : i32
      %dma_wait3A_237 = tpu.memref_slice %arg5[%scan3A_230, %dma_wait3A_236] : memref<50x128xi32, #tpu.memory_space<vmem>> -> memref<1x128xi32, #tpu.memory_space<vmem>>
      %dma_wait3A_238 = tpu.memref_squeeze %dma_wait3A_237 : memref<1x128xi32, #tpu.memory_space<vmem>> -> memref<128xi32, #tpu.memory_space<vmem>>
      %dma_wait3A_239 = arith.constant 0 : i32
      %dma_wait3A_240 = arith.constant 0 : i32
      %dma_wait3A_241 = tpu.memref_slice %arg3[%dma_wait3A_239, %dma_wait3A_240] : memref<100000x64xf32, #tpu.memory_space<hbm>> -> memref<100000x64xf32, #tpu.memory_space<hbm>>
      tpu.wait_indirect_dma semaphore(%arg7 : memref<!tpu.dma_semaphore, #tpu.memory_space<semaphore_mem>>) src(%dma_wait3A_241 : memref<100000x64xf32, #tpu.memory_space<hbm>>) dst(%dma_wait3A_235 : memref<128x64xf32, #tpu.memory_space<vmem>>)
      %dma_start3A_242 = arith.constant 0 : i32
      %dma_start3A_243 = arith.constant 0 : i32
      %dma_start3A_244 = tpu.memref_slice %arg6[%rem3A_231, %dma_start3A_242, %dma_start3A_243] : memref<8x128x64xf32, #tpu.memory_space<vmem>> -> memref<1x128x64xf32, #tpu.memory_space<vmem>>
      %dma_start3A_245 = tpu.memref_squeeze %dma_start3A_244 : memref<1x128x64xf32, #tpu.memory_space<vmem>> -> memref<128x64xf32, #tpu.memory_space<vmem>>
      %dma_start3A_246 = arith.constant 0 : i32
      %dma_start3A_247 = tpu.memref_slice %arg4[%mul3A_2, %scan3A_230, %dma_start3A_246] : memref<4096x56x128xf32, #tpu.memory_space<hbm>> -> memref<128x1x64xf32, #tpu.memory_space<hbm>>
      %dma_start3A_248 = tpu.memref_squeeze %dma_start3A_247 : memref<128x1x64xf32, #tpu.memory_space<hbm>> -> memref<128x64xf32, #tpu.memory_space<hbm>>
      %dma_start3A_249 = arith.constant 0 : i32
      %dma_start3A_250 = tpu.memref_slice %arg4[%mul3A_2, %scan3A_230, %dma_start3A_249] : memref<4096x56x128xf32, #tpu.memory_space<hbm>> -> memref<128x1x64xf32, #tpu.memory_space<hbm>>
      %dma_start3A_251 = tpu.memref_squeeze %dma_start3A_250 : memref<128x1x64xf32, #tpu.memory_space<hbm>> -> memref<128x64xf32, #tpu.memory_space<hbm>>
      %dma_start3A_252 = arith.constant 0 : i32
      %dma_start3A_253 = arith.constant 0 : i32
      %dma_start3A_254 = tpu.memref_slice %arg6[%rem3A_231, %dma_start3A_252, %dma_start3A_253] : memref<8x128x64xf32, #tpu.memory_space<vmem>> -> memref<1x128x64xf32, #tpu.memory_space<vmem>>
      %dma_start3A_255 = tpu.memref_squeeze %dma_start3A_254 : memref<1x128x64xf32, #tpu.memory_space<vmem>> -> memref<128x64xf32, #tpu.memory_space<vmem>>
      tpu.enqueue_dma source(%dma_start3A_255 : memref<128x64xf32, #tpu.memory_space<vmem>>) target(%dma_start3A_251 : memref<128x64xf32, #tpu.memory_space<hbm>>) target_semaphore(%arg8 : memref<!tpu.dma_semaphore, #tpu.memory_space<semaphore_mem>>)
      %add3A_256 = arith.constant 8 : i32
      %add3A_257 = arith.addi %scan3A_230, %add3A_256 : i32
      %sub3A = arith.constant 1 : i32
      %sub3A_258 = arith.subi %add3A_257, %sub3A : i32
      %rem3A_259 = arith.constant 8 : i32
      %rem3A_260 = arith.remsi %sub3A_258, %rem3A_259 : i32
      %ge3A = arith.constant 8 : i32
      %ge3A_261 = arith.cmpi sge, %sub3A_258, %ge3A : i32
      %lt3A = arith.constant 50 : i32
      %lt3A_262 = arith.cmpi slt, %sub3A_258, %lt3A : i32
      %and3A = arith.andi %ge3A_261, %lt3A_262 : i1
      %convert_element_type3A = arith.extui %and3A : i1 to i32
      %cond3A = arith.constant 0 : i32
      %cond3A_263 = arith.cmpi ne, %convert_element_type3A, %cond3A : i32
      scf.if %cond3A_263 {
        %sub3A_264 = arith.constant 8 : i32
        %sub3A_265 = arith.subi %sub3A_258, %sub3A_264 : i32
        %dma_wait3A_266 = arith.constant 0 : i32
        %dma_wait3A_267 = arith.constant 0 : i32
        %dma_wait3A_268 = tpu.memref_slice %arg6[%rem3A_260, %dma_wait3A_266, %dma_wait3A_267] : memref<8x128x64xf32, #tpu.memory_space<vmem>> -> memref<1x128x64xf32, #tpu.memory_space<vmem>>
        %dma_wait3A_269 = tpu.memref_squeeze %dma_wait3A_268 : memref<1x128x64xf32, #tpu.memory_space<vmem>> -> memref<128x64xf32, #tpu.memory_space<vmem>>
        %dma_wait3A_270 = arith.constant 0 : i32
        %dma_wait3A_271 = tpu.memref_slice %arg4[%mul3A_2, %sub3A_265, %dma_wait3A_270] : memref<4096x56x128xf32, #tpu.memory_space<hbm>> -> memref<128x1x64xf32, #tpu.memory_space<hbm>>
        %dma_wait3A_272 = tpu.memref_squeeze %dma_wait3A_271 : memref<128x1x64xf32, #tpu.memory_space<hbm>> -> memref<128x64xf32, #tpu.memory_space<hbm>>
        %dma_wait3A_273 = arith.constant 0 : i32
        %dma_wait3A_274 = tpu.memref_slice %arg4[%mul3A_2, %sub3A_265, %dma_wait3A_273] : memref<4096x56x128xf32, #tpu.memory_space<hbm>> -> memref<128x1x64xf32, #tpu.memory_space<hbm>>
        %dma_wait3A_275 = tpu.memref_squeeze %dma_wait3A_274 : memref<128x1x64xf32, #tpu.memory_space<hbm>> -> memref<128x64xf32, #tpu.memory_space<hbm>>
        %dma_wait3A_276 = arith.constant 0 : i32
        %dma_wait3A_277 = arith.constant 0 : i32
        %dma_wait3A_278 = tpu.memref_slice %arg6[%rem3A_260, %dma_wait3A_276, %dma_wait3A_277] : memref<8x128x64xf32, #tpu.memory_space<vmem>> -> memref<1x128x64xf32, #tpu.memory_space<vmem>>
        %dma_wait3A_279 = tpu.memref_squeeze %dma_wait3A_278 : memref<1x128x64xf32, #tpu.memory_space<vmem>> -> memref<128x64xf32, #tpu.memory_space<vmem>>
        tpu.wait_dma2 semaphore(%arg8 : memref<!tpu.dma_semaphore, #tpu.memory_space<semaphore_mem>>) src(%dma_wait3A_279 : memref<128x64xf32, #tpu.memory_space<vmem>>) dst(%dma_wait3A_275 : memref<128x64xf32, #tpu.memory_space<hbm>>)
        %dma_start3A_280 = arith.constant 0 : i32
        %dma_start3A_281 = arith.constant 0 : i32
        %dma_start3A_282 = tpu.memref_slice %arg6[%rem3A_260, %dma_start3A_280, %dma_start3A_281] : memref<8x128x64xf32, #tpu.memory_space<vmem>> -> memref<1x128x64xf32, #tpu.memory_space<vmem>>
        %dma_start3A_283 = tpu.memref_squeeze %dma_start3A_282 : memref<1x128x64xf32, #tpu.memory_space<vmem>> -> memref<128x64xf32, #tpu.memory_space<vmem>>
        %dma_start3A_284 = arith.constant 0 : i32
        %dma_start3A_285 = tpu.memref_slice %arg5[%sub3A_258, %dma_start3A_284] : memref<50x128xi32, #tpu.memory_space<vmem>> -> memref<1x128xi32, #tpu.memory_space<vmem>>
        %dma_start3A_286 = tpu.memref_squeeze %dma_start3A_285 : memref<1x128xi32, #tpu.memory_space<vmem>> -> memref<128xi32, #tpu.memory_space<vmem>>
        %dma_start3A_287 = arith.constant 0 : i32
        %dma_start3A_288 = arith.constant 0 : i32
        %dma_start3A_289 = tpu.memref_slice %arg3[%dma_start3A_287, %dma_start3A_288] : memref<100000x64xf32, #tpu.memory_space<hbm>> -> memref<100000x64xf32, #tpu.memory_space<hbm>>
        tpu.enqueue_indirect_dma source(%dma_start3A_289 : memref<100000x64xf32, #tpu.memory_space<hbm>>) target(%dma_start3A_283 : memref<128x64xf32, #tpu.memory_space<vmem>>) offsets(%dma_start3A_286 : memref<128xi32, #tpu.memory_space<vmem>>) semaphore(%arg7 : memref<!tpu.dma_semaphore, #tpu.memory_space<semaphore_mem>>)
      } else {
      }
    }
    %scan3A_102 = arith.constant 50 : i32
    %dma_wait3A = arith.constant 2 : i32
    %dma_wait3A_103 = arith.constant 42 : i32
    %dma_wait3A_104 = arith.constant 0 : i32
    %dma_wait3A_105 = arith.constant 0 : i32
    %dma_wait3A_106 = tpu.memref_slice %arg6[%dma_wait3A, %dma_wait3A_104, %dma_wait3A_105] : memref<8x128x64xf32, #tpu.memory_space<vmem>> -> memref<1x128x64xf32, #tpu.memory_space<vmem>>
    %dma_wait3A_107 = tpu.memref_squeeze %dma_wait3A_106 : memref<1x128x64xf32, #tpu.memory_space<vmem>> -> memref<128x64xf32, #tpu.memory_space<vmem>>
    %dma_wait3A_108 = arith.constant 0 : i32
    %dma_wait3A_109 = tpu.memref_slice %arg4[%mul3A_2, %dma_wait3A_103, %dma_wait3A_108] : memref<4096x56x128xf32, #tpu.memory_space<hbm>> -> memref<128x1x64xf32, #tpu.memory_space<hbm>>
    %dma_wait3A_110 = tpu.memref_squeeze %dma_wait3A_109 : memref<128x1x64xf32, #tpu.memory_space<hbm>> -> memref<128x64xf32, #tpu.memory_space<hbm>>
    %dma_wait3A_111 = arith.constant 0 : i32
    %dma_wait3A_112 = tpu.memref_slice %arg4[%mul3A_2, %dma_wait3A_103, %dma_wait3A_111] : memref<4096x56x128xf32, #tpu.memory_space<hbm>> -> memref<128x1x64xf32, #tpu.memory_space<hbm>>
    %dma_wait3A_113 = tpu.memref_squeeze %dma_wait3A_112 : memref<128x1x64xf32, #tpu.memory_space<hbm>> -> memref<128x64xf32, #tpu.memory_space<hbm>>
    %dma_wait3A_114 = arith.constant 0 : i32
    %dma_wait3A_115 = arith.constant 0 : i32
    %dma_wait3A_116 = tpu.memref_slice %arg6[%dma_wait3A, %dma_wait3A_114, %dma_wait3A_115] : memref<8x128x64xf32, #tpu.memory_space<vmem>> -> memref<1x128x64xf32, #tpu.memory_space<vmem>>
    %dma_wait3A_117 = tpu.memref_squeeze %dma_wait3A_116 : memref<1x128x64xf32, #tpu.memory_space<vmem>> -> memref<128x64xf32, #tpu.memory_space<vmem>>
    tpu.wait_dma2 semaphore(%arg8 : memref<!tpu.dma_semaphore, #tpu.memory_space<semaphore_mem>>) src(%dma_wait3A_117 : memref<128x64xf32, #tpu.memory_space<vmem>>) dst(%dma_wait3A_113 : memref<128x64xf32, #tpu.memory_space<hbm>>)
    %dma_wait3A_118 = arith.constant 3 : i32
    %dma_wait3A_119 = arith.constant 43 : i32
    %dma_wait3A_120 = arith.constant 0 : i32
    %dma_wait3A_121 = arith.constant 0 : i32
    %dma_wait3A_122 = tpu.memref_slice %arg6[%dma_wait3A_118, %dma_wait3A_120, %dma_wait3A_121] : memref<8x128x64xf32, #tpu.memory_space<vmem>> -> memref<1x128x64xf32, #tpu.memory_space<vmem>>
    %dma_wait3A_123 = tpu.memref_squeeze %dma_wait3A_122 : memref<1x128x64xf32, #tpu.memory_space<vmem>> -> memref<128x64xf32, #tpu.memory_space<vmem>>
    %dma_wait3A_124 = arith.constant 0 : i32
    %dma_wait3A_125 = tpu.memref_slice %arg4[%mul3A_2, %dma_wait3A_119, %dma_wait3A_124] : memref<4096x56x128xf32, #tpu.memory_space<hbm>> -> memref<128x1x64xf32, #tpu.memory_space<hbm>>
    %dma_wait3A_126 = tpu.memref_squeeze %dma_wait3A_125 : memref<128x1x64xf32, #tpu.memory_space<hbm>> -> memref<128x64xf32, #tpu.memory_space<hbm>>
    %dma_wait3A_127 = arith.constant 0 : i32
    %dma_wait3A_128 = tpu.memref_slice %arg4[%mul3A_2, %dma_wait3A_119, %dma_wait3A_127] : memref<4096x56x128xf32, #tpu.memory_space<hbm>> -> memref<128x1x64xf32, #tpu.memory_space<hbm>>
    %dma_wait3A_129 = tpu.memref_squeeze %dma_wait3A_128 : memref<128x1x64xf32, #tpu.memory_space<hbm>> -> memref<128x64xf32, #tpu.memory_space<hbm>>
    %dma_wait3A_130 = arith.constant 0 : i32
    %dma_wait3A_131 = arith.constant 0 : i32
    %dma_wait3A_132 = tpu.memref_slice %arg6[%dma_wait3A_118, %dma_wait3A_130, %dma_wait3A_131] : memref<8x128x64xf32, #tpu.memory_space<vmem>> -> memref<1x128x64xf32, #tpu.memory_space<vmem>>
    %dma_wait3A_133 = tpu.memref_squeeze %dma_wait3A_132 : memref<1x128x64xf32, #tpu.memory_space<vmem>> -> memref<128x64xf32, #tpu.memory_space<vmem>>
    tpu.wait_dma2 semaphore(%arg8 : memref<!tpu.dma_semaphore, #tpu.memory_space<semaphore_mem>>) src(%dma_wait3A_133 : memref<128x64xf32, #tpu.memory_space<vmem>>) dst(%dma_wait3A_129 : memref<128x64xf32, #tpu.memory_space<hbm>>)
    %dma_wait3A_134 = arith.constant 4 : i32
    %dma_wait3A_135 = arith.constant 44 : i32
    %dma_wait3A_136 = arith.constant 0 : i32
    %dma_wait3A_137 = arith.constant 0 : i32
    %dma_wait3A_138 = tpu.memref_slice %arg6[%dma_wait3A_134, %dma_wait3A_136, %dma_wait3A_137] : memref<8x128x64xf32, #tpu.memory_space<vmem>> -> memref<1x128x64xf32, #tpu.memory_space<vmem>>
    %dma_wait3A_139 = tpu.memref_squeeze %dma_wait3A_138 : memref<1x128x64xf32, #tpu.memory_space<vmem>> -> memref<128x64xf32, #tpu.memory_space<vmem>>
    %dma_wait3A_140 = arith.constant 0 : i32
    %dma_wait3A_141 = tpu.memref_slice %arg4[%mul3A_2, %dma_wait3A_135, %dma_wait3A_140] : memref<4096x56x128xf32, #tpu.memory_space<hbm>> -> memref<128x1x64xf32, #tpu.memory_space<hbm>>
    %dma_wait3A_142 = tpu.memref_squeeze %dma_wait3A_141 : memref<128x1x64xf32, #tpu.memory_space<hbm>> -> memref<128x64xf32, #tpu.memory_space<hbm>>
    %dma_wait3A_143 = arith.constant 0 : i32
    %dma_wait3A_144 = tpu.memref_slice %arg4[%mul3A_2, %dma_wait3A_135, %dma_wait3A_143] : memref<4096x56x128xf32, #tpu.memory_space<hbm>> -> memref<128x1x64xf32, #tpu.memory_space<hbm>>
    %dma_wait3A_145 = tpu.memref_squeeze %dma_wait3A_144 : memref<128x1x64xf32, #tpu.memory_space<hbm>> -> memref<128x64xf32, #tpu.memory_space<hbm>>
    %dma_wait3A_146 = arith.constant 0 : i32
    %dma_wait3A_147 = arith.constant 0 : i32
    %dma_wait3A_148 = tpu.memref_slice %arg6[%dma_wait3A_134, %dma_wait3A_146, %dma_wait3A_147] : memref<8x128x64xf32, #tpu.memory_space<vmem>> -> memref<1x128x64xf32, #tpu.memory_space<vmem>>
    %dma_wait3A_149 = tpu.memref_squeeze %dma_wait3A_148 : memref<1x128x64xf32, #tpu.memory_space<vmem>> -> memref<128x64xf32, #tpu.memory_space<vmem>>
    tpu.wait_dma2 semaphore(%arg8 : memref<!tpu.dma_semaphore, #tpu.memory_space<semaphore_mem>>) src(%dma_wait3A_149 : memref<128x64xf32, #tpu.memory_space<vmem>>) dst(%dma_wait3A_145 : memref<128x64xf32, #tpu.memory_space<hbm>>)
    %dma_wait3A_150 = arith.constant 5 : i32
    %dma_wait3A_151 = arith.constant 45 : i32
    %dma_wait3A_152 = arith.constant 0 : i32
    %dma_wait3A_153 = arith.constant 0 : i32
    %dma_wait3A_154 = tpu.memref_slice %arg6[%dma_wait3A_150, %dma_wait3A_152, %dma_wait3A_153] : memref<8x128x64xf32, #tpu.memory_space<vmem>> -> memref<1x128x64xf32, #tpu.memory_space<vmem>>
    %dma_wait3A_155 = tpu.memref_squeeze %dma_wait3A_154 : memref<1x128x64xf32, #tpu.memory_space<vmem>> -> memref<128x64xf32, #tpu.memory_space<vmem>>
    %dma_wait3A_156 = arith.constant 0 : i32
    %dma_wait3A_157 = tpu.memref_slice %arg4[%mul3A_2, %dma_wait3A_151, %dma_wait3A_156] : memref<4096x56x128xf32, #tpu.memory_space<hbm>> -> memref<128x1x64xf32, #tpu.memory_space<hbm>>
    %dma_wait3A_158 = tpu.memref_squeeze %dma_wait3A_157 : memref<128x1x64xf32, #tpu.memory_space<hbm>> -> memref<128x64xf32, #tpu.memory_space<hbm>>
    %dma_wait3A_159 = arith.constant 0 : i32
    %dma_wait3A_160 = tpu.memref_slice %arg4[%mul3A_2, %dma_wait3A_151, %dma_wait3A_159] : memref<4096x56x128xf32, #tpu.memory_space<hbm>> -> memref<128x1x64xf32, #tpu.memory_space<hbm>>
    %dma_wait3A_161 = tpu.memref_squeeze %dma_wait3A_160 : memref<128x1x64xf32, #tpu.memory_space<hbm>> -> memref<128x64xf32, #tpu.memory_space<hbm>>
    %dma_wait3A_162 = arith.constant 0 : i32
    %dma_wait3A_163 = arith.constant 0 : i32
    %dma_wait3A_164 = tpu.memref_slice %arg6[%dma_wait3A_150, %dma_wait3A_162, %dma_wait3A_163] : memref<8x128x64xf32, #tpu.memory_space<vmem>> -> memref<1x128x64xf32, #tpu.memory_space<vmem>>
    %dma_wait3A_165 = tpu.memref_squeeze %dma_wait3A_164 : memref<1x128x64xf32, #tpu.memory_space<vmem>> -> memref<128x64xf32, #tpu.memory_space<vmem>>
    tpu.wait_dma2 semaphore(%arg8 : memref<!tpu.dma_semaphore, #tpu.memory_space<semaphore_mem>>) src(%dma_wait3A_165 : memref<128x64xf32, #tpu.memory_space<vmem>>) dst(%dma_wait3A_161 : memref<128x64xf32, #tpu.memory_space<hbm>>)
    %dma_wait3A_166 = arith.constant 6 : i32
    %dma_wait3A_167 = arith.constant 46 : i32
    %dma_wait3A_168 = arith.constant 0 : i32
    %dma_wait3A_169 = arith.constant 0 : i32
    %dma_wait3A_170 = tpu.memref_slice %arg6[%dma_wait3A_166, %dma_wait3A_168, %dma_wait3A_169] : memref<8x128x64xf32, #tpu.memory_space<vmem>> -> memref<1x128x64xf32, #tpu.memory_space<vmem>>
    %dma_wait3A_171 = tpu.memref_squeeze %dma_wait3A_170 : memref<1x128x64xf32, #tpu.memory_space<vmem>> -> memref<128x64xf32, #tpu.memory_space<vmem>>
    %dma_wait3A_172 = arith.constant 0 : i32
    %dma_wait3A_173 = tpu.memref_slice %arg4[%mul3A_2, %dma_wait3A_167, %dma_wait3A_172] : memref<4096x56x128xf32, #tpu.memory_space<hbm>> -> memref<128x1x64xf32, #tpu.memory_space<hbm>>
    %dma_wait3A_174 = tpu.memref_squeeze %dma_wait3A_173 : memref<128x1x64xf32, #tpu.memory_space<hbm>> -> memref<128x64xf32, #tpu.memory_space<hbm>>
    %dma_wait3A_175 = arith.constant 0 : i32
    %dma_wait3A_176 = tpu.memref_slice %arg4[%mul3A_2, %dma_wait3A_167, %dma_wait3A_175] : memref<4096x56x128xf32, #tpu.memory_space<hbm>> -> memref<128x1x64xf32, #tpu.memory_space<hbm>>
    %dma_wait3A_177 = tpu.memref_squeeze %dma_wait3A_176 : memref<128x1x64xf32, #tpu.memory_space<hbm>> -> memref<128x64xf32, #tpu.memory_space<hbm>>
    %dma_wait3A_178 = arith.constant 0 : i32
    %dma_wait3A_179 = arith.constant 0 : i32
    %dma_wait3A_180 = tpu.memref_slice %arg6[%dma_wait3A_166, %dma_wait3A_178, %dma_wait3A_179] : memref<8x128x64xf32, #tpu.memory_space<vmem>> -> memref<1x128x64xf32, #tpu.memory_space<vmem>>
    %dma_wait3A_181 = tpu.memref_squeeze %dma_wait3A_180 : memref<1x128x64xf32, #tpu.memory_space<vmem>> -> memref<128x64xf32, #tpu.memory_space<vmem>>
    tpu.wait_dma2 semaphore(%arg8 : memref<!tpu.dma_semaphore, #tpu.memory_space<semaphore_mem>>) src(%dma_wait3A_181 : memref<128x64xf32, #tpu.memory_space<vmem>>) dst(%dma_wait3A_177 : memref<128x64xf32, #tpu.memory_space<hbm>>)
    %dma_wait3A_182 = arith.constant 7 : i32
    %dma_wait3A_183 = arith.constant 47 : i32
    %dma_wait3A_184 = arith.constant 0 : i32
    %dma_wait3A_185 = arith.constant 0 : i32
    %dma_wait3A_186 = tpu.memref_slice %arg6[%dma_wait3A_182, %dma_wait3A_184, %dma_wait3A_185] : memref<8x128x64xf32, #tpu.memory_space<vmem>> -> memref<1x128x64xf32, #tpu.memory_space<vmem>>
    %dma_wait3A_187 = tpu.memref_squeeze %dma_wait3A_186 : memref<1x128x64xf32, #tpu.memory_space<vmem>> -> memref<128x64xf32, #tpu.memory_space<vmem>>
    %dma_wait3A_188 = arith.constant 0 : i32
    %dma_wait3A_189 = tpu.memref_slice %arg4[%mul3A_2, %dma_wait3A_183, %dma_wait3A_188] : memref<4096x56x128xf32, #tpu.memory_space<hbm>> -> memref<128x1x64xf32, #tpu.memory_space<hbm>>
    %dma_wait3A_190 = tpu.memref_squeeze %dma_wait3A_189 : memref<128x1x64xf32, #tpu.memory_space<hbm>> -> memref<128x64xf32, #tpu.memory_space<hbm>>
    %dma_wait3A_191 = arith.constant 0 : i32
    %dma_wait3A_192 = tpu.memref_slice %arg4[%mul3A_2, %dma_wait3A_183, %dma_wait3A_191] : memref<4096x56x128xf32, #tpu.memory_space<hbm>> -> memref<128x1x64xf32, #tpu.memory_space<hbm>>
    %dma_wait3A_193 = tpu.memref_squeeze %dma_wait3A_192 : memref<128x1x64xf32, #tpu.memory_space<hbm>> -> memref<128x64xf32, #tpu.memory_space<hbm>>
    %dma_wait3A_194 = arith.constant 0 : i32
    %dma_wait3A_195 = arith.constant 0 : i32
    %dma_wait3A_196 = tpu.memref_slice %arg6[%dma_wait3A_182, %dma_wait3A_194, %dma_wait3A_195] : memref<8x128x64xf32, #tpu.memory_space<vmem>> -> memref<1x128x64xf32, #tpu.memory_space<vmem>>
    %dma_wait3A_197 = tpu.memref_squeeze %dma_wait3A_196 : memref<1x128x64xf32, #tpu.memory_space<vmem>> -> memref<128x64xf32, #tpu.memory_space<vmem>>
    tpu.wait_dma2 semaphore(%arg8 : memref<!tpu.dma_semaphore, #tpu.memory_space<semaphore_mem>>) src(%dma_wait3A_197 : memref<128x64xf32, #tpu.memory_space<vmem>>) dst(%dma_wait3A_193 : memref<128x64xf32, #tpu.memory_space<hbm>>)
    %dma_wait3A_198 = arith.constant 0 : i32
    %dma_wait3A_199 = arith.constant 48 : i32
    %dma_wait3A_200 = arith.constant 0 : i32
    %dma_wait3A_201 = arith.constant 0 : i32
    %dma_wait3A_202 = tpu.memref_slice %arg6[%dma_wait3A_198, %dma_wait3A_200, %dma_wait3A_201] : memref<8x128x64xf32, #tpu.memory_space<vmem>> -> memref<1x128x64xf32, #tpu.memory_space<vmem>>
    %dma_wait3A_203 = tpu.memref_squeeze %dma_wait3A_202 : memref<1x128x64xf32, #tpu.memory_space<vmem>> -> memref<128x64xf32, #tpu.memory_space<vmem>>
    %dma_wait3A_204 = arith.constant 0 : i32
    %dma_wait3A_205 = tpu.memref_slice %arg4[%mul3A_2, %dma_wait3A_199, %dma_wait3A_204] : memref<4096x56x128xf32, #tpu.memory_space<hbm>> -> memref<128x1x64xf32, #tpu.memory_space<hbm>>
    %dma_wait3A_206 = tpu.memref_squeeze %dma_wait3A_205 : memref<128x1x64xf32, #tpu.memory_space<hbm>> -> memref<128x64xf32, #tpu.memory_space<hbm>>
    %dma_wait3A_207 = arith.constant 0 : i32
    %dma_wait3A_208 = tpu.memref_slice %arg4[%mul3A_2, %dma_wait3A_199, %dma_wait3A_207] : memref<4096x56x128xf32, #tpu.memory_space<hbm>> -> memref<128x1x64xf32, #tpu.memory_space<hbm>>
    %dma_wait3A_209 = tpu.memref_squeeze %dma_wait3A_208 : memref<128x1x64xf32, #tpu.memory_space<hbm>> -> memref<128x64xf32, #tpu.memory_space<hbm>>
    %dma_wait3A_210 = arith.constant 0 : i32
    %dma_wait3A_211 = arith.constant 0 : i32
    %dma_wait3A_212 = tpu.memref_slice %arg6[%dma_wait3A_198, %dma_wait3A_210, %dma_wait3A_211] : memref<8x128x64xf32, #tpu.memory_space<vmem>> -> memref<1x128x64xf32, #tpu.memory_space<vmem>>
    %dma_wait3A_213 = tpu.memref_squeeze %dma_wait3A_212 : memref<1x128x64xf32, #tpu.memory_space<vmem>> -> memref<128x64xf32, #tpu.memory_space<vmem>>
    tpu.wait_dma2 semaphore(%arg8 : memref<!tpu.dma_semaphore, #tpu.memory_space<semaphore_mem>>) src(%dma_wait3A_213 : memref<128x64xf32, #tpu.memory_space<vmem>>) dst(%dma_wait3A_209 : memref<128x64xf32, #tpu.memory_space<hbm>>)
    %dma_wait3A_214 = arith.constant 1 : i32
    %dma_wait3A_215 = arith.constant 49 : i32
    %dma_wait3A_216 = arith.constant 0 : i32
    %dma_wait3A_217 = arith.constant 0 : i32
    %dma_wait3A_218 = tpu.memref_slice %arg6[%dma_wait3A_214, %dma_wait3A_216, %dma_wait3A_217] : memref<8x128x64xf32, #tpu.memory_space<vmem>> -> memref<1x128x64xf32, #tpu.memory_space<vmem>>
    %dma_wait3A_219 = tpu.memref_squeeze %dma_wait3A_218 : memref<1x128x64xf32, #tpu.memory_space<vmem>> -> memref<128x64xf32, #tpu.memory_space<vmem>>
    %dma_wait3A_220 = arith.constant 0 : i32
    %dma_wait3A_221 = tpu.memref_slice %arg4[%mul3A_2, %dma_wait3A_215, %dma_wait3A_220] : memref<4096x56x128xf32, #tpu.memory_space<hbm>> -> memref<128x1x64xf32, #tpu.memory_space<hbm>>
    %dma_wait3A_222 = tpu.memref_squeeze %dma_wait3A_221 : memref<128x1x64xf32, #tpu.memory_space<hbm>> -> memref<128x64xf32, #tpu.memory_space<hbm>>
    %dma_wait3A_223 = arith.constant 0 : i32
    %dma_wait3A_224 = tpu.memref_slice %arg4[%mul3A_2, %dma_wait3A_215, %dma_wait3A_223] : memref<4096x56x128xf32, #tpu.memory_space<hbm>> -> memref<128x1x64xf32, #tpu.memory_space<hbm>>
    %dma_wait3A_225 = tpu.memref_squeeze %dma_wait3A_224 : memref<128x1x64xf32, #tpu.memory_space<hbm>> -> memref<128x64xf32, #tpu.memory_space<hbm>>
    %dma_wait3A_226 = arith.constant 0 : i32
    %dma_wait3A_227 = arith.constant 0 : i32
    %dma_wait3A_228 = tpu.memref_slice %arg6[%dma_wait3A_214, %dma_wait3A_226, %dma_wait3A_227] : memref<8x128x64xf32, #tpu.memory_space<vmem>> -> memref<1x128x64xf32, #tpu.memory_space<vmem>>
    %dma_wait3A_229 = tpu.memref_squeeze %dma_wait3A_228 : memref<1x128x64xf32, #tpu.memory_space<vmem>> -> memref<128x64xf32, #tpu.memory_space<vmem>>
    tpu.wait_dma2 semaphore(%arg8 : memref<!tpu.dma_semaphore, #tpu.memory_space<semaphore_mem>>) src(%dma_wait3A_229 : memref<128x64xf32, #tpu.memory_space<vmem>>) dst(%dma_wait3A_225 : memref<128x64xf32, #tpu.memory_space<hbm>>)
    return
  }
}

module attributes {stable_mosaic.version = 14 : i64} {
  func.func @_tpose_body(%arg0: i32, %arg1: memref<128x56x128xf32, #tpu.memory_space<vmem>>, %arg2: memref<50x8x1x8x128xf32, #tpu.memory_space<vmem>>) attributes {dimension_semantics = [#tpu.dimension_semantics<parallel>], iteration_bounds = array<i64: 32>, scalar_prefetch = 0 : i64, scratch_operands = 0 : i64, tpu.core_type = #tpu.core_type<tc>, window_params = [{transform_indices = @transform_0, window_bounds = array<i64: 128, 56, 128>}, {transform_indices = @transform_1, window_bounds = array<i64: 50, 8, 1, 8, 128>}]} {
    %get3A = arith.constant 0 : index
    %get3A_0 = arith.constant 0 : index
    %get3A_1 = arith.constant 0 : index
    %get3A_2 = vector.load %arg1[%get3A, %get3A_0, %get3A_1] : memref<128x56x128xf32, #tpu.memory_space<vmem>>, vector<128x1x128xf32>
    %get3A_3 = vector.shape_cast %get3A_2 : vector<128x1x128xf32> to vector<128x128xf32>
    %transpose3A = tpu.transpose %get3A_3, [1, 0] : vector<128x128xf32> -> vector<128x128xf32>
    %slice3A = vector.extract_strided_slice %transpose3A {offsets = [0, 0], sizes = [64, 128], strides = [1, 1]} : vector<128x128xf32> to vector<64x128xf32>
    %reshape3A = vector.shape_cast %slice3A : vector<64x128xf32> to vector<8x8x128xf32>
    %swap3A = arith.constant 0 : index
    %swap3A_4 = arith.constant 0 : index
    %swap3A_5 = arith.constant 0 : index
    %swap3A_6 = arith.constant 0 : index
    %swap3A_7 = arith.constant 0 : index
    %swap3A_8 = vector.load %arg2[%swap3A, %swap3A_4, %swap3A_5, %swap3A_6, %swap3A_7] : memref<50x8x1x8x128xf32, #tpu.memory_space<vmem>>, vector<1x8x1x8x128xf32>
    %swap3A_9 = vector.shape_cast %swap3A_8 : vector<1x8x1x8x128xf32> to vector<8x8x128xf32>
    %swap3A_10 = vector.shape_cast %reshape3A : vector<8x8x128xf32> to vector<1x8x1x8x128xf32>
    tpu.vector_store %arg2[%swap3A, %swap3A_4, %swap3A_5, %swap3A_6, %swap3A_7], %swap3A_10 {strides = array<i32>} : memref<50x8x1x8x128xf32, #tpu.memory_space<vmem>>, vector<1x8x1x8x128xf32>,
    %get3A_11 = arith.constant 0 : index
    %get3A_12 = arith.constant 1 : index
    %get3A_13 = arith.constant 0 : index
    %get3A_14 = vector.load %arg1[%get3A_11, %get3A_12, %get3A_13] : memref<128x56x128xf32, #tpu.memory_space<vmem>>, vector<128x1x128xf32>
    %get3A_15 = vector.shape_cast %get3A_14 : vector<128x1x128xf32> to vector<128x128xf32>
    %transpose3A_16 = tpu.transpose %get3A_15, [1, 0] : vector<128x128xf32> -> vector<128x128xf32>
    %slice3A_17 = vector.extract_strided_slice %transpose3A_16 {offsets = [0, 0], sizes = [64, 128], strides = [1, 1]} : vector<128x128xf32> to vector<64x128xf32>
    %reshape3A_18 = vector.shape_cast %slice3A_17 : vector<64x128xf32> to vector<8x8x128xf32>
    %swap3A_19 = arith.constant 1 : index
    %swap3A_20 = arith.constant 0 : index
    %swap3A_21 = arith.constant 0 : index
    %swap3A_22 = arith.constant 0 : index
    %swap3A_23 = arith.constant 0 : index
    %swap3A_24 = vector.load %arg2[%swap3A_19, %swap3A_20, %swap3A_21, %swap3A_22, %swap3A_23] : memref<50x8x1x8x128xf32, #tpu.memory_space<vmem>>, vector<1x8x1x8x128xf32>
    %swap3A_25 = vector.shape_cast %swap3A_24 : vector<1x8x1x8x128xf32> to vector<8x8x128xf32>
    %swap3A_26 = vector.shape_cast %reshape3A_18 : vector<8x8x128xf32> to vector<1x8x1x8x128xf32>
    tpu.vector_store %arg2[%swap3A_19, %swap3A_20, %swap3A_21, %swap3A_22, %swap3A_23], %swap3A_26 {strides = array<i32>} : memref<50x8x1x8x128xf32, #tpu.memory_space<vmem>>, vector<1x8x1x8x128xf32>,
    %get3A_27 = arith.constant 0 : index
    %get3A_28 = arith.constant 2 : index
    %get3A_29 = arith.constant 0 : index
    %get3A_30 = vector.load %arg1[%get3A_27, %get3A_28, %get3A_29] : memref<128x56x128xf32, #tpu.memory_space<vmem>>, vector<128x1x128xf32>
    %get3A_31 = vector.shape_cast %get3A_30 : vector<128x1x128xf32> to vector<128x128xf32>
    %transpose3A_32 = tpu.transpose %get3A_31, [1, 0] : vector<128x128xf32> -> vector<128x128xf32>
    %slice3A_33 = vector.extract_strided_slice %transpose3A_32 {offsets = [0, 0], sizes = [64, 128], strides = [1, 1]} : vector<128x128xf32> to vector<64x128xf32>
    %reshape3A_34 = vector.shape_cast %slice3A_33 : vector<64x128xf32> to vector<8x8x128xf32>
    %swap3A_35 = arith.constant 2 : index
    %swap3A_36 = arith.constant 0 : index
    %swap3A_37 = arith.constant 0 : index
    %swap3A_38 = arith.constant 0 : index
    %swap3A_39 = arith.constant 0 : index
    %swap3A_40 = vector.load %arg2[%swap3A_35, %swap3A_36, %swap3A_37, %swap3A_38, %swap3A_39] : memref<50x8x1x8x128xf32, #tpu.memory_space<vmem>>, vector<1x8x1x8x128xf32>
    %swap3A_41 = vector.shape_cast %swap3A_40 : vector<1x8x1x8x128xf32> to vector<8x8x128xf32>
    %swap3A_42 = vector.shape_cast %reshape3A_34 : vector<8x8x128xf32> to vector<1x8x1x8x128xf32>
    tpu.vector_store %arg2[%swap3A_35, %swap3A_36, %swap3A_37, %swap3A_38, %swap3A_39], %swap3A_42 {strides = array<i32>} : memref<50x8x1x8x128xf32, #tpu.memory_space<vmem>>, vector<1x8x1x8x128xf32>,
    %get3A_43 = arith.constant 0 : index
    %get3A_44 = arith.constant 3 : index
    %get3A_45 = arith.constant 0 : index
    %get3A_46 = vector.load %arg1[%get3A_43, %get3A_44, %get3A_45] : memref<128x56x128xf32, #tpu.memory_space<vmem>>, vector<128x1x128xf32>
    %get3A_47 = vector.shape_cast %get3A_46 : vector<128x1x128xf32> to vector<128x128xf32>
    %transpose3A_48 = tpu.transpose %get3A_47, [1, 0] : vector<128x128xf32> -> vector<128x128xf32>
    %slice3A_49 = vector.extract_strided_slice %transpose3A_48 {offsets = [0, 0], sizes = [64, 128], strides = [1, 1]} : vector<128x128xf32> to vector<64x128xf32>
    %reshape3A_50 = vector.shape_cast %slice3A_49 : vector<64x128xf32> to vector<8x8x128xf32>
    %swap3A_51 = arith.constant 3 : index
    %swap3A_52 = arith.constant 0 : index
    %swap3A_53 = arith.constant 0 : index
    %swap3A_54 = arith.constant 0 : index
    %swap3A_55 = arith.constant 0 : index
    %swap3A_56 = vector.load %arg2[%swap3A_51, %swap3A_52, %swap3A_53, %swap3A_54, %swap3A_55] : memref<50x8x1x8x128xf32, #tpu.memory_space<vmem>>, vector<1x8x1x8x128xf32>
    %swap3A_57 = vector.shape_cast %swap3A_56 : vector<1x8x1x8x128xf32> to vector<8x8x128xf32>
    %swap3A_58 = vector.shape_cast %reshape3A_50 : vector<8x8x128xf32> to vector<1x8x1x8x128xf32>
    tpu.vector_store %arg2[%swap3A_51, %swap3A_52, %swap3A_53, %swap3A_54, %swap3A_55], %swap3A_58 {strides = array<i32>} : memref<50x8x1x8x128xf32, #tpu.memory_space<vmem>>, vector<1x8x1x8x128xf32>,
    %get3A_59 = arith.constant 0 : index
    %get3A_60 = arith.constant 4 : index
    %get3A_61 = arith.constant 0 : index
    %get3A_62 = vector.load %arg1[%get3A_59, %get3A_60, %get3A_61] : memref<128x56x128xf32, #tpu.memory_space<vmem>>, vector<128x1x128xf32>
    %get3A_63 = vector.shape_cast %get3A_62 : vector<128x1x128xf32> to vector<128x128xf32>
    %transpose3A_64 = tpu.transpose %get3A_63, [1, 0] : vector<128x128xf32> -> vector<128x128xf32>
    %slice3A_65 = vector.extract_strided_slice %transpose3A_64 {offsets = [0, 0], sizes = [64, 128], strides = [1, 1]} : vector<128x128xf32> to vector<64x128xf32>
    %reshape3A_66 = vector.shape_cast %slice3A_65 : vector<64x128xf32> to vector<8x8x128xf32>
    %swap3A_67 = arith.constant 4 : index
    %swap3A_68 = arith.constant 0 : index
    %swap3A_69 = arith.constant 0 : index
    %swap3A_70 = arith.constant 0 : index
    %swap3A_71 = arith.constant 0 : index
    %swap3A_72 = vector.load %arg2[%swap3A_67, %swap3A_68, %swap3A_69, %swap3A_70, %swap3A_71] : memref<50x8x1x8x128xf32, #tpu.memory_space<vmem>>, vector<1x8x1x8x128xf32>
    %swap3A_73 = vector.shape_cast %swap3A_72 : vector<1x8x1x8x128xf32> to vector<8x8x128xf32>
    %swap3A_74 = vector.shape_cast %reshape3A_66 : vector<8x8x128xf32> to vector<1x8x1x8x128xf32>
    tpu.vector_store %arg2[%swap3A_67, %swap3A_68, %swap3A_69, %swap3A_70, %swap3A_71], %swap3A_74 {strides = array<i32>} : memref<50x8x1x8x128xf32, #tpu.memory_space<vmem>>, vector<1x8x1x8x128xf32>,
    %get3A_75 = arith.constant 0 : index
    %get3A_76 = arith.constant 5 : index
    %get3A_77 = arith.constant 0 : index
    %get3A_78 = vector.load %arg1[%get3A_75, %get3A_76, %get3A_77] : memref<128x56x128xf32, #tpu.memory_space<vmem>>, vector<128x1x128xf32>
    %get3A_79 = vector.shape_cast %get3A_78 : vector<128x1x128xf32> to vector<128x128xf32>
    %transpose3A_80 = tpu.transpose %get3A_79, [1, 0] : vector<128x128xf32> -> vector<128x128xf32>
    %slice3A_81 = vector.extract_strided_slice %transpose3A_80 {offsets = [0, 0], sizes = [64, 128], strides = [1, 1]} : vector<128x128xf32> to vector<64x128xf32>
    %reshape3A_82 = vector.shape_cast %slice3A_81 : vector<64x128xf32> to vector<8x8x128xf32>
    %swap3A_83 = arith.constant 5 : index
    %swap3A_84 = arith.constant 0 : index
    %swap3A_85 = arith.constant 0 : index
    %swap3A_86 = arith.constant 0 : index
    %swap3A_87 = arith.constant 0 : index
    %swap3A_88 = vector.load %arg2[%swap3A_83, %swap3A_84, %swap3A_85, %swap3A_86, %swap3A_87] : memref<50x8x1x8x128xf32, #tpu.memory_space<vmem>>, vector<1x8x1x8x128xf32>
    %swap3A_89 = vector.shape_cast %swap3A_88 : vector<1x8x1x8x128xf32> to vector<8x8x128xf32>
    %swap3A_90 = vector.shape_cast %reshape3A_82 : vector<8x8x128xf32> to vector<1x8x1x8x128xf32>
    tpu.vector_store %arg2[%swap3A_83, %swap3A_84, %swap3A_85, %swap3A_86, %swap3A_87], %swap3A_90 {strides = array<i32>} : memref<50x8x1x8x128xf32, #tpu.memory_space<vmem>>, vector<1x8x1x8x128xf32>,
    %get3A_91 = arith.constant 0 : index
    %get3A_92 = arith.constant 6 : index
    %get3A_93 = arith.constant 0 : index
    %get3A_94 = vector.load %arg1[%get3A_91, %get3A_92, %get3A_93] : memref<128x56x128xf32, #tpu.memory_space<vmem>>, vector<128x1x128xf32>
    %get3A_95 = vector.shape_cast %get3A_94 : vector<128x1x128xf32> to vector<128x128xf32>
    %transpose3A_96 = tpu.transpose %get3A_95, [1, 0] : vector<128x128xf32> -> vector<128x128xf32>
    %slice3A_97 = vector.extract_strided_slice %transpose3A_96 {offsets = [0, 0], sizes = [64, 128], strides = [1, 1]} : vector<128x128xf32> to vector<64x128xf32>
    %reshape3A_98 = vector.shape_cast %slice3A_97 : vector<64x128xf32> to vector<8x8x128xf32>
    %swap3A_99 = arith.constant 6 : index
    %swap3A_100 = arith.constant 0 : index
    %swap3A_101 = arith.constant 0 : index
    %swap3A_102 = arith.constant 0 : index
    %swap3A_103 = arith.constant 0 : index
    %swap3A_104 = vector.load %arg2[%swap3A_99, %swap3A_100, %swap3A_101, %swap3A_102, %swap3A_103] : memref<50x8x1x8x128xf32, #tpu.memory_space<vmem>>, vector<1x8x1x8x128xf32>
    %swap3A_105 = vector.shape_cast %swap3A_104 : vector<1x8x1x8x128xf32> to vector<8x8x128xf32>
    %swap3A_106 = vector.shape_cast %reshape3A_98 : vector<8x8x128xf32> to vector<1x8x1x8x128xf32>
    tpu.vector_store %arg2[%swap3A_99, %swap3A_100, %swap3A_101, %swap3A_102, %swap3A_103], %swap3A_106 {strides = array<i32>} : memref<50x8x1x8x128xf32, #tpu.memory_space<vmem>>, vector<1x8x1x8x128xf32>,
    %get3A_107 = arith.constant 0 : index
    %get3A_108 = arith.constant 7 : index
    %get3A_109 = arith.constant 0 : index
    %get3A_110 = vector.load %arg1[%get3A_107, %get3A_108, %get3A_109] : memref<128x56x128xf32, #tpu.memory_space<vmem>>, vector<128x1x128xf32>
    %get3A_111 = vector.shape_cast %get3A_110 : vector<128x1x128xf32> to vector<128x128xf32>
    %transpose3A_112 = tpu.transpose %get3A_111, [1, 0] : vector<128x128xf32> -> vector<128x128xf32>
    %slice3A_113 = vector.extract_strided_slice %transpose3A_112 {offsets = [0, 0], sizes = [64, 128], strides = [1, 1]} : vector<128x128xf32> to vector<64x128xf32>
    %reshape3A_114 = vector.shape_cast %slice3A_113 : vector<64x128xf32> to vector<8x8x128xf32>
    %swap3A_115 = arith.constant 7 : index
    %swap3A_116 = arith.constant 0 : index
    %swap3A_117 = arith.constant 0 : index
    %swap3A_118 = arith.constant 0 : index
    %swap3A_119 = arith.constant 0 : index
    %swap3A_120 = vector.load %arg2[%swap3A_115, %swap3A_116, %swap3A_117, %swap3A_118, %swap3A_119] : memref<50x8x1x8x128xf32, #tpu.memory_space<vmem>>, vector<1x8x1x8x128xf32>
    %swap3A_121 = vector.shape_cast %swap3A_120 : vector<1x8x1x8x128xf32> to vector<8x8x128xf32>
    %swap3A_122 = vector.shape_cast %reshape3A_114 : vector<8x8x128xf32> to vector<1x8x1x8x128xf32>
    tpu.vector_store %arg2[%swap3A_115, %swap3A_116, %swap3A_117, %swap3A_118, %swap3A_119], %swap3A_122 {strides = array<i32>} : memref<50x8x1x8x128xf32, #tpu.memory_space<vmem>>, vector<1x8x1x8x128xf32>,
    %get3A_123 = arith.constant 0 : index
    %get3A_124 = arith.constant 8 : index
    %get3A_125 = arith.constant 0 : index
    %get3A_126 = vector.load %arg1[%get3A_123, %get3A_124, %get3A_125] : memref<128x56x128xf32, #tpu.memory_space<vmem>>, vector<128x1x128xf32>
    %get3A_127 = vector.shape_cast %get3A_126 : vector<128x1x128xf32> to vector<128x128xf32>
    %transpose3A_128 = tpu.transpose %get3A_127, [1, 0] : vector<128x128xf32> -> vector<128x128xf32>
    %slice3A_129 = vector.extract_strided_slice %transpose3A_128 {offsets = [0, 0], sizes = [64, 128], strides = [1, 1]} : vector<128x128xf32> to vector<64x128xf32>
    %reshape3A_130 = vector.shape_cast %slice3A_129 : vector<64x128xf32> to vector<8x8x128xf32>
    %swap3A_131 = arith.constant 8 : index
    %swap3A_132 = arith.constant 0 : index
    %swap3A_133 = arith.constant 0 : index
    %swap3A_134 = arith.constant 0 : index
    %swap3A_135 = arith.constant 0 : index
    %swap3A_136 = vector.load %arg2[%swap3A_131, %swap3A_132, %swap3A_133, %swap3A_134, %swap3A_135] : memref<50x8x1x8x128xf32, #tpu.memory_space<vmem>>, vector<1x8x1x8x128xf32>
    %swap3A_137 = vector.shape_cast %swap3A_136 : vector<1x8x1x8x128xf32> to vector<8x8x128xf32>
    %swap3A_138 = vector.shape_cast %reshape3A_130 : vector<8x8x128xf32> to vector<1x8x1x8x128xf32>
    tpu.vector_store %arg2[%swap3A_131, %swap3A_132, %swap3A_133, %swap3A_134, %swap3A_135], %swap3A_138 {strides = array<i32>} : memref<50x8x1x8x128xf32, #tpu.memory_space<vmem>>, vector<1x8x1x8x128xf32>,
    %get3A_139 = arith.constant 0 : index
    %get3A_140 = arith.constant 9 : index
    %get3A_141 = arith.constant 0 : index
    %get3A_142 = vector.load %arg1[%get3A_139, %get3A_140, %get3A_141] : memref<128x56x128xf32, #tpu.memory_space<vmem>>, vector<128x1x128xf32>
    %get3A_143 = vector.shape_cast %get3A_142 : vector<128x1x128xf32> to vector<128x128xf32>
    %transpose3A_144 = tpu.transpose %get3A_143, [1, 0] : vector<128x128xf32> -> vector<128x128xf32>
    %slice3A_145 = vector.extract_strided_slice %transpose3A_144 {offsets = [0, 0], sizes = [64, 128], strides = [1, 1]} : vector<128x128xf32> to vector<64x128xf32>
    %reshape3A_146 = vector.shape_cast %slice3A_145 : vector<64x128xf32> to vector<8x8x128xf32>
    %swap3A_147 = arith.constant 9 : index
    %swap3A_148 = arith.constant 0 : index
    %swap3A_149 = arith.constant 0 : index
    %swap3A_150 = arith.constant 0 : index
    %swap3A_151 = arith.constant 0 : index
    %swap3A_152 = vector.load %arg2[%swap3A_147, %swap3A_148, %swap3A_149, %swap3A_150, %swap3A_151] : memref<50x8x1x8x128xf32, #tpu.memory_space<vmem>>, vector<1x8x1x8x128xf32>
    %swap3A_153 = vector.shape_cast %swap3A_152 : vector<1x8x1x8x128xf32> to vector<8x8x128xf32>
    %swap3A_154 = vector.shape_cast %reshape3A_146 : vector<8x8x128xf32> to vector<1x8x1x8x128xf32>
    tpu.vector_store %arg2[%swap3A_147, %swap3A_148, %swap3A_149, %swap3A_150, %swap3A_151], %swap3A_154 {strides = array<i32>} : memref<50x8x1x8x128xf32, #tpu.memory_space<vmem>>, vector<1x8x1x8x128xf32>,
    %get3A_155 = arith.constant 0 : index
    %get3A_156 = arith.constant 10 : index
    %get3A_157 = arith.constant 0 : index
    %get3A_158 = vector.load %arg1[%get3A_155, %get3A_156, %get3A_157] : memref<128x56x128xf32, #tpu.memory_space<vmem>>, vector<128x1x128xf32>
    %get3A_159 = vector.shape_cast %get3A_158 : vector<128x1x128xf32> to vector<128x128xf32>
    %transpose3A_160 = tpu.transpose %get3A_159, [1, 0] : vector<128x128xf32> -> vector<128x128xf32>
    %slice3A_161 = vector.extract_strided_slice %transpose3A_160 {offsets = [0, 0], sizes = [64, 128], strides = [1, 1]} : vector<128x128xf32> to vector<64x128xf32>
    %reshape3A_162 = vector.shape_cast %slice3A_161 : vector<64x128xf32> to vector<8x8x128xf32>
    %swap3A_163 = arith.constant 10 : index
    %swap3A_164 = arith.constant 0 : index
    %swap3A_165 = arith.constant 0 : index
    %swap3A_166 = arith.constant 0 : index
    %swap3A_167 = arith.constant 0 : index
    %swap3A_168 = vector.load %arg2[%swap3A_163, %swap3A_164, %swap3A_165, %swap3A_166, %swap3A_167] : memref<50x8x1x8x128xf32, #tpu.memory_space<vmem>>, vector<1x8x1x8x128xf32>
    %swap3A_169 = vector.shape_cast %swap3A_168 : vector<1x8x1x8x128xf32> to vector<8x8x128xf32>
    %swap3A_170 = vector.shape_cast %reshape3A_162 : vector<8x8x128xf32> to vector<1x8x1x8x128xf32>
    tpu.vector_store %arg2[%swap3A_163, %swap3A_164, %swap3A_165, %swap3A_166, %swap3A_167], %swap3A_170 {strides = array<i32>} : memref<50x8x1x8x128xf32, #tpu.memory_space<vmem>>, vector<1x8x1x8x128xf32>,
    %get3A_171 = arith.constant 0 : index
    %get3A_172 = arith.constant 11 : index
    %get3A_173 = arith.constant 0 : index
    %get3A_174 = vector.load %arg1[%get3A_171, %get3A_172, %get3A_173] : memref<128x56x128xf32, #tpu.memory_space<vmem>>, vector<128x1x128xf32>
    %get3A_175 = vector.shape_cast %get3A_174 : vector<128x1x128xf32> to vector<128x128xf32>
    %transpose3A_176 = tpu.transpose %get3A_175, [1, 0] : vector<128x128xf32> -> vector<128x128xf32>
    %slice3A_177 = vector.extract_strided_slice %transpose3A_176 {offsets = [0, 0], sizes = [64, 128], strides = [1, 1]} : vector<128x128xf32> to vector<64x128xf32>
    %reshape3A_178 = vector.shape_cast %slice3A_177 : vector<64x128xf32> to vector<8x8x128xf32>
    %swap3A_179 = arith.constant 11 : index
    %swap3A_180 = arith.constant 0 : index
    %swap3A_181 = arith.constant 0 : index
    %swap3A_182 = arith.constant 0 : index
    %swap3A_183 = arith.constant 0 : index
    %swap3A_184 = vector.load %arg2[%swap3A_179, %swap3A_180, %swap3A_181, %swap3A_182, %swap3A_183] : memref<50x8x1x8x128xf32, #tpu.memory_space<vmem>>, vector<1x8x1x8x128xf32>
    %swap3A_185 = vector.shape_cast %swap3A_184 : vector<1x8x1x8x128xf32> to vector<8x8x128xf32>
    %swap3A_186 = vector.shape_cast %reshape3A_178 : vector<8x8x128xf32> to vector<1x8x1x8x128xf32>
    tpu.vector_store %arg2[%swap3A_179, %swap3A_180, %swap3A_181, %swap3A_182, %swap3A_183], %swap3A_186 {strides = array<i32>} : memref<50x8x1x8x128xf32, #tpu.memory_space<vmem>>, vector<1x8x1x8x128xf32>,
    %get3A_187 = arith.constant 0 : index
    %get3A_188 = arith.constant 12 : index
    %get3A_189 = arith.constant 0 : index
    %get3A_190 = vector.load %arg1[%get3A_187, %get3A_188, %get3A_189] : memref<128x56x128xf32, #tpu.memory_space<vmem>>, vector<128x1x128xf32>
    %get3A_191 = vector.shape_cast %get3A_190 : vector<128x1x128xf32> to vector<128x128xf32>
    %transpose3A_192 = tpu.transpose %get3A_191, [1, 0] : vector<128x128xf32> -> vector<128x128xf32>
    %slice3A_193 = vector.extract_strided_slice %transpose3A_192 {offsets = [0, 0], sizes = [64, 128], strides = [1, 1]} : vector<128x128xf32> to vector<64x128xf32>
    %reshape3A_194 = vector.shape_cast %slice3A_193 : vector<64x128xf32> to vector<8x8x128xf32>
    %swap3A_195 = arith.constant 12 : index
    %swap3A_196 = arith.constant 0 : index
    %swap3A_197 = arith.constant 0 : index
    %swap3A_198 = arith.constant 0 : index
    %swap3A_199 = arith.constant 0 : index
    %swap3A_200 = vector.load %arg2[%swap3A_195, %swap3A_196, %swap3A_197, %swap3A_198, %swap3A_199] : memref<50x8x1x8x128xf32, #tpu.memory_space<vmem>>, vector<1x8x1x8x128xf32>
    %swap3A_201 = vector.shape_cast %swap3A_200 : vector<1x8x1x8x128xf32> to vector<8x8x128xf32>
    %swap3A_202 = vector.shape_cast %reshape3A_194 : vector<8x8x128xf32> to vector<1x8x1x8x128xf32>
    tpu.vector_store %arg2[%swap3A_195, %swap3A_196, %swap3A_197, %swap3A_198, %swap3A_199], %swap3A_202 {strides = array<i32>} : memref<50x8x1x8x128xf32, #tpu.memory_space<vmem>>, vector<1x8x1x8x128xf32>,
    %get3A_203 = arith.constant 0 : index
    %get3A_204 = arith.constant 13 : index
    %get3A_205 = arith.constant 0 : index
    %get3A_206 = vector.load %arg1[%get3A_203, %get3A_204, %get3A_205] : memref<128x56x128xf32, #tpu.memory_space<vmem>>, vector<128x1x128xf32>
    %get3A_207 = vector.shape_cast %get3A_206 : vector<128x1x128xf32> to vector<128x128xf32>
    %transpose3A_208 = tpu.transpose %get3A_207, [1, 0] : vector<128x128xf32> -> vector<128x128xf32>
    %slice3A_209 = vector.extract_strided_slice %transpose3A_208 {offsets = [0, 0], sizes = [64, 128], strides = [1, 1]} : vector<128x128xf32> to vector<64x128xf32>
    %reshape3A_210 = vector.shape_cast %slice3A_209 : vector<64x128xf32> to vector<8x8x128xf32>
    %swap3A_211 = arith.constant 13 : index
    %swap3A_212 = arith.constant 0 : index
    %swap3A_213 = arith.constant 0 : index
    %swap3A_214 = arith.constant 0 : index
    %swap3A_215 = arith.constant 0 : index
    %swap3A_216 = vector.load %arg2[%swap3A_211, %swap3A_212, %swap3A_213, %swap3A_214, %swap3A_215] : memref<50x8x1x8x128xf32, #tpu.memory_space<vmem>>, vector<1x8x1x8x128xf32>
    %swap3A_217 = vector.shape_cast %swap3A_216 : vector<1x8x1x8x128xf32> to vector<8x8x128xf32>
    %swap3A_218 = vector.shape_cast %reshape3A_210 : vector<8x8x128xf32> to vector<1x8x1x8x128xf32>
    tpu.vector_store %arg2[%swap3A_211, %swap3A_212, %swap3A_213, %swap3A_214, %swap3A_215], %swap3A_218 {strides = array<i32>} : memref<50x8x1x8x128xf32, #tpu.memory_space<vmem>>, vector<1x8x1x8x128xf32>,
    %get3A_219 = arith.constant 0 : index
    %get3A_220 = arith.constant 14 : index
    %get3A_221 = arith.constant 0 : index
    %get3A_222 = vector.load %arg1[%get3A_219, %get3A_220, %get3A_221] : memref<128x56x128xf32, #tpu.memory_space<vmem>>, vector<128x1x128xf32>
    %get3A_223 = vector.shape_cast %get3A_222 : vector<128x1x128xf32> to vector<128x128xf32>
    %transpose3A_224 = tpu.transpose %get3A_223, [1, 0] : vector<128x128xf32> -> vector<128x128xf32>
    %slice3A_225 = vector.extract_strided_slice %transpose3A_224 {offsets = [0, 0], sizes = [64, 128], strides = [1, 1]} : vector<128x128xf32> to vector<64x128xf32>
    %reshape3A_226 = vector.shape_cast %slice3A_225 : vector<64x128xf32> to vector<8x8x128xf32>
    %swap3A_227 = arith.constant 14 : index
    %swap3A_228 = arith.constant 0 : index
    %swap3A_229 = arith.constant 0 : index
    %swap3A_230 = arith.constant 0 : index
    %swap3A_231 = arith.constant 0 : index
    %swap3A_232 = vector.load %arg2[%swap3A_227, %swap3A_228, %swap3A_229, %swap3A_230, %swap3A_231] : memref<50x8x1x8x128xf32, #tpu.memory_space<vmem>>, vector<1x8x1x8x128xf32>
    %swap3A_233 = vector.shape_cast %swap3A_232 : vector<1x8x1x8x128xf32> to vector<8x8x128xf32>
    %swap3A_234 = vector.shape_cast %reshape3A_226 : vector<8x8x128xf32> to vector<1x8x1x8x128xf32>
    tpu.vector_store %arg2[%swap3A_227, %swap3A_228, %swap3A_229, %swap3A_230, %swap3A_231], %swap3A_234 {strides = array<i32>} : memref<50x8x1x8x128xf32, #tpu.memory_space<vmem>>, vector<1x8x1x8x128xf32>,
    %get3A_235 = arith.constant 0 : index
    %get3A_236 = arith.constant 15 : index
    %get3A_237 = arith.constant 0 : index
    %get3A_238 = vector.load %arg1[%get3A_235, %get3A_236, %get3A_237] : memref<128x56x128xf32, #tpu.memory_space<vmem>>, vector<128x1x128xf32>
    %get3A_239 = vector.shape_cast %get3A_238 : vector<128x1x128xf32> to vector<128x128xf32>
    %transpose3A_240 = tpu.transpose %get3A_239, [1, 0] : vector<128x128xf32> -> vector<128x128xf32>
    %slice3A_241 = vector.extract_strided_slice %transpose3A_240 {offsets = [0, 0], sizes = [64, 128], strides = [1, 1]} : vector<128x128xf32> to vector<64x128xf32>
    %reshape3A_242 = vector.shape_cast %slice3A_241 : vector<64x128xf32> to vector<8x8x128xf32>
    %swap3A_243 = arith.constant 15 : index
    %swap3A_244 = arith.constant 0 : index
    %swap3A_245 = arith.constant 0 : index
    %swap3A_246 = arith.constant 0 : index
    %swap3A_247 = arith.constant 0 : index
    %swap3A_248 = vector.load %arg2[%swap3A_243, %swap3A_244, %swap3A_245, %swap3A_246, %swap3A_247] : memref<50x8x1x8x128xf32, #tpu.memory_space<vmem>>, vector<1x8x1x8x128xf32>
    %swap3A_249 = vector.shape_cast %swap3A_248 : vector<1x8x1x8x128xf32> to vector<8x8x128xf32>
    %swap3A_250 = vector.shape_cast %reshape3A_242 : vector<8x8x128xf32> to vector<1x8x1x8x128xf32>
    tpu.vector_store %arg2[%swap3A_243, %swap3A_244, %swap3A_245, %swap3A_246, %swap3A_247], %swap3A_250 {strides = array<i32>} : memref<50x8x1x8x128xf32, #tpu.memory_space<vmem>>, vector<1x8x1x8x128xf32>,
    %get3A_251 = arith.constant 0 : index
    %get3A_252 = arith.constant 16 : index
    %get3A_253 = arith.constant 0 : index
    %get3A_254 = vector.load %arg1[%get3A_251, %get3A_252, %get3A_253] : memref<128x56x128xf32, #tpu.memory_space<vmem>>, vector<128x1x128xf32>
    %get3A_255 = vector.shape_cast %get3A_254 : vector<128x1x128xf32> to vector<128x128xf32>
    %transpose3A_256 = tpu.transpose %get3A_255, [1, 0] : vector<128x128xf32> -> vector<128x128xf32>
    %slice3A_257 = vector.extract_strided_slice %transpose3A_256 {offsets = [0, 0], sizes = [64, 128], strides = [1, 1]} : vector<128x128xf32> to vector<64x128xf32>
    %reshape3A_258 = vector.shape_cast %slice3A_257 : vector<64x128xf32> to vector<8x8x128xf32>
    %swap3A_259 = arith.constant 16 : index
    %swap3A_260 = arith.constant 0 : index
    %swap3A_261 = arith.constant 0 : index
    %swap3A_262 = arith.constant 0 : index
    %swap3A_263 = arith.constant 0 : index
    %swap3A_264 = vector.load %arg2[%swap3A_259, %swap3A_260, %swap3A_261, %swap3A_262, %swap3A_263] : memref<50x8x1x8x128xf32, #tpu.memory_space<vmem>>, vector<1x8x1x8x128xf32>
    %swap3A_265 = vector.shape_cast %swap3A_264 : vector<1x8x1x8x128xf32> to vector<8x8x128xf32>
    %swap3A_266 = vector.shape_cast %reshape3A_258 : vector<8x8x128xf32> to vector<1x8x1x8x128xf32>
    tpu.vector_store %arg2[%swap3A_259, %swap3A_260, %swap3A_261, %swap3A_262, %swap3A_263], %swap3A_266 {strides = array<i32>} : memref<50x8x1x8x128xf32, #tpu.memory_space<vmem>>, vector<1x8x1x8x128xf32>,
    %get3A_267 = arith.constant 0 : index
    %get3A_268 = arith.constant 17 : index
    %get3A_269 = arith.constant 0 : index
    %get3A_270 = vector.load %arg1[%get3A_267, %get3A_268, %get3A_269] : memref<128x56x128xf32, #tpu.memory_space<vmem>>, vector<128x1x128xf32>
    %get3A_271 = vector.shape_cast %get3A_270 : vector<128x1x128xf32> to vector<128x128xf32>
    %transpose3A_272 = tpu.transpose %get3A_271, [1, 0] : vector<128x128xf32> -> vector<128x128xf32>
    %slice3A_273 = vector.extract_strided_slice %transpose3A_272 {offsets = [0, 0], sizes = [64, 128], strides = [1, 1]} : vector<128x128xf32> to vector<64x128xf32>
    %reshape3A_274 = vector.shape_cast %slice3A_273 : vector<64x128xf32> to vector<8x8x128xf32>
    %swap3A_275 = arith.constant 17 : index
    %swap3A_276 = arith.constant 0 : index
    %swap3A_277 = arith.constant 0 : index
    %swap3A_278 = arith.constant 0 : index
    %swap3A_279 = arith.constant 0 : index
    %swap3A_280 = vector.load %arg2[%swap3A_275, %swap3A_276, %swap3A_277, %swap3A_278, %swap3A_279] : memref<50x8x1x8x128xf32, #tpu.memory_space<vmem>>, vector<1x8x1x8x128xf32>
    %swap3A_281 = vector.shape_cast %swap3A_280 : vector<1x8x1x8x128xf32> to vector<8x8x128xf32>
    %swap3A_282 = vector.shape_cast %reshape3A_274 : vector<8x8x128xf32> to vector<1x8x1x8x128xf32>
    tpu.vector_store %arg2[%swap3A_275, %swap3A_276, %swap3A_277, %swap3A_278, %swap3A_279], %swap3A_282 {strides = array<i32>} : memref<50x8x1x8x128xf32, #tpu.memory_space<vmem>>, vector<1x8x1x8x128xf32>,
    %get3A_283 = arith.constant 0 : index
    %get3A_284 = arith.constant 18 : index
    %get3A_285 = arith.constant 0 : index
    %get3A_286 = vector.load %arg1[%get3A_283, %get3A_284, %get3A_285] : memref<128x56x128xf32, #tpu.memory_space<vmem>>, vector<128x1x128xf32>
    %get3A_287 = vector.shape_cast %get3A_286 : vector<128x1x128xf32> to vector<128x128xf32>
    %transpose3A_288 = tpu.transpose %get3A_287, [1, 0] : vector<128x128xf32> -> vector<128x128xf32>
    %slice3A_289 = vector.extract_strided_slice %transpose3A_288 {offsets = [0, 0], sizes = [64, 128], strides = [1, 1]} : vector<128x128xf32> to vector<64x128xf32>
    %reshape3A_290 = vector.shape_cast %slice3A_289 : vector<64x128xf32> to vector<8x8x128xf32>
    %swap3A_291 = arith.constant 18 : index
    %swap3A_292 = arith.constant 0 : index
    %swap3A_293 = arith.constant 0 : index
    %swap3A_294 = arith.constant 0 : index
    %swap3A_295 = arith.constant 0 : index
    %swap3A_296 = vector.load %arg2[%swap3A_291, %swap3A_292, %swap3A_293, %swap3A_294, %swap3A_295] : memref<50x8x1x8x128xf32, #tpu.memory_space<vmem>>, vector<1x8x1x8x128xf32>
    %swap3A_297 = vector.shape_cast %swap3A_296 : vector<1x8x1x8x128xf32> to vector<8x8x128xf32>
    %swap3A_298 = vector.shape_cast %reshape3A_290 : vector<8x8x128xf32> to vector<1x8x1x8x128xf32>
    tpu.vector_store %arg2[%swap3A_291, %swap3A_292, %swap3A_293, %swap3A_294, %swap3A_295], %swap3A_298 {strides = array<i32>} : memref<50x8x1x8x128xf32, #tpu.memory_space<vmem>>, vector<1x8x1x8x128xf32>,
    %get3A_299 = arith.constant 0 : index
    %get3A_300 = arith.constant 19 : index
    %get3A_301 = arith.constant 0 : index
    %get3A_302 = vector.load %arg1[%get3A_299, %get3A_300, %get3A_301] : memref<128x56x128xf32, #tpu.memory_space<vmem>>, vector<128x1x128xf32>
    %get3A_303 = vector.shape_cast %get3A_302 : vector<128x1x128xf32> to vector<128x128xf32>
    %transpose3A_304 = tpu.transpose %get3A_303, [1, 0] : vector<128x128xf32> -> vector<128x128xf32>
    %slice3A_305 = vector.extract_strided_slice %transpose3A_304 {offsets = [0, 0], sizes = [64, 128], strides = [1, 1]} : vector<128x128xf32> to vector<64x128xf32>
    %reshape3A_306 = vector.shape_cast %slice3A_305 : vector<64x128xf32> to vector<8x8x128xf32>
    %swap3A_307 = arith.constant 19 : index
    %swap3A_308 = arith.constant 0 : index
    %swap3A_309 = arith.constant 0 : index
    %swap3A_310 = arith.constant 0 : index
    %swap3A_311 = arith.constant 0 : index
    %swap3A_312 = vector.load %arg2[%swap3A_307, %swap3A_308, %swap3A_309, %swap3A_310, %swap3A_311] : memref<50x8x1x8x128xf32, #tpu.memory_space<vmem>>, vector<1x8x1x8x128xf32>
    %swap3A_313 = vector.shape_cast %swap3A_312 : vector<1x8x1x8x128xf32> to vector<8x8x128xf32>
    %swap3A_314 = vector.shape_cast %reshape3A_306 : vector<8x8x128xf32> to vector<1x8x1x8x128xf32>
    tpu.vector_store %arg2[%swap3A_307, %swap3A_308, %swap3A_309, %swap3A_310, %swap3A_311], %swap3A_314 {strides = array<i32>} : memref<50x8x1x8x128xf32, #tpu.memory_space<vmem>>, vector<1x8x1x8x128xf32>,
    %get3A_315 = arith.constant 0 : index
    %get3A_316 = arith.constant 20 : index
    %get3A_317 = arith.constant 0 : index
    %get3A_318 = vector.load %arg1[%get3A_315, %get3A_316, %get3A_317] : memref<128x56x128xf32, #tpu.memory_space<vmem>>, vector<128x1x128xf32>
    %get3A_319 = vector.shape_cast %get3A_318 : vector<128x1x128xf32> to vector<128x128xf32>
    %transpose3A_320 = tpu.transpose %get3A_319, [1, 0] : vector<128x128xf32> -> vector<128x128xf32>
    %slice3A_321 = vector.extract_strided_slice %transpose3A_320 {offsets = [0, 0], sizes = [64, 128], strides = [1, 1]} : vector<128x128xf32> to vector<64x128xf32>
    %reshape3A_322 = vector.shape_cast %slice3A_321 : vector<64x128xf32> to vector<8x8x128xf32>
    %swap3A_323 = arith.constant 20 : index
    %swap3A_324 = arith.constant 0 : index
    %swap3A_325 = arith.constant 0 : index
    %swap3A_326 = arith.constant 0 : index
    %swap3A_327 = arith.constant 0 : index
    %swap3A_328 = vector.load %arg2[%swap3A_323, %swap3A_324, %swap3A_325, %swap3A_326, %swap3A_327] : memref<50x8x1x8x128xf32, #tpu.memory_space<vmem>>, vector<1x8x1x8x128xf32>
    %swap3A_329 = vector.shape_cast %swap3A_328 : vector<1x8x1x8x128xf32> to vector<8x8x128xf32>
    %swap3A_330 = vector.shape_cast %reshape3A_322 : vector<8x8x128xf32> to vector<1x8x1x8x128xf32>
    tpu.vector_store %arg2[%swap3A_323, %swap3A_324, %swap3A_325, %swap3A_326, %swap3A_327], %swap3A_330 {strides = array<i32>} : memref<50x8x1x8x128xf32, #tpu.memory_space<vmem>>, vector<1x8x1x8x128xf32>,
    %get3A_331 = arith.constant 0 : index
    %get3A_332 = arith.constant 21 : index
    %get3A_333 = arith.constant 0 : index
    %get3A_334 = vector.load %arg1[%get3A_331, %get3A_332, %get3A_333] : memref<128x56x128xf32, #tpu.memory_space<vmem>>, vector<128x1x128xf32>
    %get3A_335 = vector.shape_cast %get3A_334 : vector<128x1x128xf32> to vector<128x128xf32>
    %transpose3A_336 = tpu.transpose %get3A_335, [1, 0] : vector<128x128xf32> -> vector<128x128xf32>
    %slice3A_337 = vector.extract_strided_slice %transpose3A_336 {offsets = [0, 0], sizes = [64, 128], strides = [1, 1]} : vector<128x128xf32> to vector<64x128xf32>
    %reshape3A_338 = vector.shape_cast %slice3A_337 : vector<64x128xf32> to vector<8x8x128xf32>
    %swap3A_339 = arith.constant 21 : index
    %swap3A_340 = arith.constant 0 : index
    %swap3A_341 = arith.constant 0 : index
    %swap3A_342 = arith.constant 0 : index
    %swap3A_343 = arith.constant 0 : index
    %swap3A_344 = vector.load %arg2[%swap3A_339, %swap3A_340, %swap3A_341, %swap3A_342, %swap3A_343] : memref<50x8x1x8x128xf32, #tpu.memory_space<vmem>>, vector<1x8x1x8x128xf32>
    %swap3A_345 = vector.shape_cast %swap3A_344 : vector<1x8x1x8x128xf32> to vector<8x8x128xf32>
    %swap3A_346 = vector.shape_cast %reshape3A_338 : vector<8x8x128xf32> to vector<1x8x1x8x128xf32>
    tpu.vector_store %arg2[%swap3A_339, %swap3A_340, %swap3A_341, %swap3A_342, %swap3A_343], %swap3A_346 {strides = array<i32>} : memref<50x8x1x8x128xf32, #tpu.memory_space<vmem>>, vector<1x8x1x8x128xf32>,
    %get3A_347 = arith.constant 0 : index
    %get3A_348 = arith.constant 22 : index
    %get3A_349 = arith.constant 0 : index
    %get3A_350 = vector.load %arg1[%get3A_347, %get3A_348, %get3A_349] : memref<128x56x128xf32, #tpu.memory_space<vmem>>, vector<128x1x128xf32>
    %get3A_351 = vector.shape_cast %get3A_350 : vector<128x1x128xf32> to vector<128x128xf32>
    %transpose3A_352 = tpu.transpose %get3A_351, [1, 0] : vector<128x128xf32> -> vector<128x128xf32>
    %slice3A_353 = vector.extract_strided_slice %transpose3A_352 {offsets = [0, 0], sizes = [64, 128], strides = [1, 1]} : vector<128x128xf32> to vector<64x128xf32>
    %reshape3A_354 = vector.shape_cast %slice3A_353 : vector<64x128xf32> to vector<8x8x128xf32>
    %swap3A_355 = arith.constant 22 : index
    %swap3A_356 = arith.constant 0 : index
    %swap3A_357 = arith.constant 0 : index
    %swap3A_358 = arith.constant 0 : index
    %swap3A_359 = arith.constant 0 : index
    %swap3A_360 = vector.load %arg2[%swap3A_355, %swap3A_356, %swap3A_357, %swap3A_358, %swap3A_359] : memref<50x8x1x8x128xf32, #tpu.memory_space<vmem>>, vector<1x8x1x8x128xf32>
    %swap3A_361 = vector.shape_cast %swap3A_360 : vector<1x8x1x8x128xf32> to vector<8x8x128xf32>
    %swap3A_362 = vector.shape_cast %reshape3A_354 : vector<8x8x128xf32> to vector<1x8x1x8x128xf32>
    tpu.vector_store %arg2[%swap3A_355, %swap3A_356, %swap3A_357, %swap3A_358, %swap3A_359], %swap3A_362 {strides = array<i32>} : memref<50x8x1x8x128xf32, #tpu.memory_space<vmem>>, vector<1x8x1x8x128xf32>,
    %get3A_363 = arith.constant 0 : index
    %get3A_364 = arith.constant 23 : index
    %get3A_365 = arith.constant 0 : index
    %get3A_366 = vector.load %arg1[%get3A_363, %get3A_364, %get3A_365] : memref<128x56x128xf32, #tpu.memory_space<vmem>>, vector<128x1x128xf32>
    %get3A_367 = vector.shape_cast %get3A_366 : vector<128x1x128xf32> to vector<128x128xf32>
    %transpose3A_368 = tpu.transpose %get3A_367, [1, 0] : vector<128x128xf32> -> vector<128x128xf32>
    %slice3A_369 = vector.extract_strided_slice %transpose3A_368 {offsets = [0, 0], sizes = [64, 128], strides = [1, 1]} : vector<128x128xf32> to vector<64x128xf32>
    %reshape3A_370 = vector.shape_cast %slice3A_369 : vector<64x128xf32> to vector<8x8x128xf32>
    %swap3A_371 = arith.constant 23 : index
    %swap3A_372 = arith.constant 0 : index
    %swap3A_373 = arith.constant 0 : index
    %swap3A_374 = arith.constant 0 : index
    %swap3A_375 = arith.constant 0 : index
    %swap3A_376 = vector.load %arg2[%swap3A_371, %swap3A_372, %swap3A_373, %swap3A_374, %swap3A_375] : memref<50x8x1x8x128xf32, #tpu.memory_space<vmem>>, vector<1x8x1x8x128xf32>
    %swap3A_377 = vector.shape_cast %swap3A_376 : vector<1x8x1x8x128xf32> to vector<8x8x128xf32>
    %swap3A_378 = vector.shape_cast %reshape3A_370 : vector<8x8x128xf32> to vector<1x8x1x8x128xf32>
    tpu.vector_store %arg2[%swap3A_371, %swap3A_372, %swap3A_373, %swap3A_374, %swap3A_375], %swap3A_378 {strides = array<i32>} : memref<50x8x1x8x128xf32, #tpu.memory_space<vmem>>, vector<1x8x1x8x128xf32>,
    %get3A_379 = arith.constant 0 : index
    %get3A_380 = arith.constant 24 : index
    %get3A_381 = arith.constant 0 : index
    %get3A_382 = vector.load %arg1[%get3A_379, %get3A_380, %get3A_381] : memref<128x56x128xf32, #tpu.memory_space<vmem>>, vector<128x1x128xf32>
    %get3A_383 = vector.shape_cast %get3A_382 : vector<128x1x128xf32> to vector<128x128xf32>
    %transpose3A_384 = tpu.transpose %get3A_383, [1, 0] : vector<128x128xf32> -> vector<128x128xf32>
    %slice3A_385 = vector.extract_strided_slice %transpose3A_384 {offsets = [0, 0], sizes = [64, 128], strides = [1, 1]} : vector<128x128xf32> to vector<64x128xf32>
    %reshape3A_386 = vector.shape_cast %slice3A_385 : vector<64x128xf32> to vector<8x8x128xf32>
    %swap3A_387 = arith.constant 24 : index
    %swap3A_388 = arith.constant 0 : index
    %swap3A_389 = arith.constant 0 : index
    %swap3A_390 = arith.constant 0 : index
    %swap3A_391 = arith.constant 0 : index
    %swap3A_392 = vector.load %arg2[%swap3A_387, %swap3A_388, %swap3A_389, %swap3A_390, %swap3A_391] : memref<50x8x1x8x128xf32, #tpu.memory_space<vmem>>, vector<1x8x1x8x128xf32>
    %swap3A_393 = vector.shape_cast %swap3A_392 : vector<1x8x1x8x128xf32> to vector<8x8x128xf32>
    %swap3A_394 = vector.shape_cast %reshape3A_386 : vector<8x8x128xf32> to vector<1x8x1x8x128xf32>
    tpu.vector_store %arg2[%swap3A_387, %swap3A_388, %swap3A_389, %swap3A_390, %swap3A_391], %swap3A_394 {strides = array<i32>} : memref<50x8x1x8x128xf32, #tpu.memory_space<vmem>>, vector<1x8x1x8x128xf32>,
    %get3A_395 = arith.constant 0 : index
    %get3A_396 = arith.constant 25 : index
    %get3A_397 = arith.constant 0 : index
    %get3A_398 = vector.load %arg1[%get3A_395, %get3A_396, %get3A_397] : memref<128x56x128xf32, #tpu.memory_space<vmem>>, vector<128x1x128xf32>
    %get3A_399 = vector.shape_cast %get3A_398 : vector<128x1x128xf32> to vector<128x128xf32>
    %transpose3A_400 = tpu.transpose %get3A_399, [1, 0] : vector<128x128xf32> -> vector<128x128xf32>
    %slice3A_401 = vector.extract_strided_slice %transpose3A_400 {offsets = [0, 0], sizes = [64, 128], strides = [1, 1]} : vector<128x128xf32> to vector<64x128xf32>
    %reshape3A_402 = vector.shape_cast %slice3A_401 : vector<64x128xf32> to vector<8x8x128xf32>
    %swap3A_403 = arith.constant 25 : index
    %swap3A_404 = arith.constant 0 : index
    %swap3A_405 = arith.constant 0 : index
    %swap3A_406 = arith.constant 0 : index
    %swap3A_407 = arith.constant 0 : index
    %swap3A_408 = vector.load %arg2[%swap3A_403, %swap3A_404, %swap3A_405, %swap3A_406, %swap3A_407] : memref<50x8x1x8x128xf32, #tpu.memory_space<vmem>>, vector<1x8x1x8x128xf32>
    %swap3A_409 = vector.shape_cast %swap3A_408 : vector<1x8x1x8x128xf32> to vector<8x8x128xf32>
    %swap3A_410 = vector.shape_cast %reshape3A_402 : vector<8x8x128xf32> to vector<1x8x1x8x128xf32>
    tpu.vector_store %arg2[%swap3A_403, %swap3A_404, %swap3A_405, %swap3A_406, %swap3A_407], %swap3A_410 {strides = array<i32>} : memref<50x8x1x8x128xf32, #tpu.memory_space<vmem>>, vector<1x8x1x8x128xf32>,
    %get3A_411 = arith.constant 0 : index
    %get3A_412 = arith.constant 26 : index
    %get3A_413 = arith.constant 0 : index
    %get3A_414 = vector.load %arg1[%get3A_411, %get3A_412, %get3A_413] : memref<128x56x128xf32, #tpu.memory_space<vmem>>, vector<128x1x128xf32>
    %get3A_415 = vector.shape_cast %get3A_414 : vector<128x1x128xf32> to vector<128x128xf32>
    %transpose3A_416 = tpu.transpose %get3A_415, [1, 0] : vector<128x128xf32> -> vector<128x128xf32>
    %slice3A_417 = vector.extract_strided_slice %transpose3A_416 {offsets = [0, 0], sizes = [64, 128], strides = [1, 1]} : vector<128x128xf32> to vector<64x128xf32>
    %reshape3A_418 = vector.shape_cast %slice3A_417 : vector<64x128xf32> to vector<8x8x128xf32>
    %swap3A_419 = arith.constant 26 : index
    %swap3A_420 = arith.constant 0 : index
    %swap3A_421 = arith.constant 0 : index
    %swap3A_422 = arith.constant 0 : index
    %swap3A_423 = arith.constant 0 : index
    %swap3A_424 = vector.load %arg2[%swap3A_419, %swap3A_420, %swap3A_421, %swap3A_422, %swap3A_423] : memref<50x8x1x8x128xf32, #tpu.memory_space<vmem>>, vector<1x8x1x8x128xf32>
    %swap3A_425 = vector.shape_cast %swap3A_424 : vector<1x8x1x8x128xf32> to vector<8x8x128xf32>
    %swap3A_426 = vector.shape_cast %reshape3A_418 : vector<8x8x128xf32> to vector<1x8x1x8x128xf32>
    tpu.vector_store %arg2[%swap3A_419, %swap3A_420, %swap3A_421, %swap3A_422, %swap3A_423], %swap3A_426 {strides = array<i32>} : memref<50x8x1x8x128xf32, #tpu.memory_space<vmem>>, vector<1x8x1x8x128xf32>,
    %get3A_427 = arith.constant 0 : index
    %get3A_428 = arith.constant 27 : index
    %get3A_429 = arith.constant 0 : index
    %get3A_430 = vector.load %arg1[%get3A_427, %get3A_428, %get3A_429] : memref<128x56x128xf32, #tpu.memory_space<vmem>>, vector<128x1x128xf32>
    %get3A_431 = vector.shape_cast %get3A_430 : vector<128x1x128xf32> to vector<128x128xf32>
    %transpose3A_432 = tpu.transpose %get3A_431, [1, 0] : vector<128x128xf32> -> vector<128x128xf32>
    %slice3A_433 = vector.extract_strided_slice %transpose3A_432 {offsets = [0, 0], sizes = [64, 128], strides = [1, 1]} : vector<128x128xf32> to vector<64x128xf32>
    %reshape3A_434 = vector.shape_cast %slice3A_433 : vector<64x128xf32> to vector<8x8x128xf32>
    %swap3A_435 = arith.constant 27 : index
    %swap3A_436 = arith.constant 0 : index
    %swap3A_437 = arith.constant 0 : index
    %swap3A_438 = arith.constant 0 : index
    %swap3A_439 = arith.constant 0 : index
    %swap3A_440 = vector.load %arg2[%swap3A_435, %swap3A_436, %swap3A_437, %swap3A_438, %swap3A_439] : memref<50x8x1x8x128xf32, #tpu.memory_space<vmem>>, vector<1x8x1x8x128xf32>
    %swap3A_441 = vector.shape_cast %swap3A_440 : vector<1x8x1x8x128xf32> to vector<8x8x128xf32>
    %swap3A_442 = vector.shape_cast %reshape3A_434 : vector<8x8x128xf32> to vector<1x8x1x8x128xf32>
    tpu.vector_store %arg2[%swap3A_435, %swap3A_436, %swap3A_437, %swap3A_438, %swap3A_439], %swap3A_442 {strides = array<i32>} : memref<50x8x1x8x128xf32, #tpu.memory_space<vmem>>, vector<1x8x1x8x128xf32>,
    %get3A_443 = arith.constant 0 : index
    %get3A_444 = arith.constant 28 : index
    %get3A_445 = arith.constant 0 : index
    %get3A_446 = vector.load %arg1[%get3A_443, %get3A_444, %get3A_445] : memref<128x56x128xf32, #tpu.memory_space<vmem>>, vector<128x1x128xf32>
    %get3A_447 = vector.shape_cast %get3A_446 : vector<128x1x128xf32> to vector<128x128xf32>
    %transpose3A_448 = tpu.transpose %get3A_447, [1, 0] : vector<128x128xf32> -> vector<128x128xf32>
    %slice3A_449 = vector.extract_strided_slice %transpose3A_448 {offsets = [0, 0], sizes = [64, 128], strides = [1, 1]} : vector<128x128xf32> to vector<64x128xf32>
    %reshape3A_450 = vector.shape_cast %slice3A_449 : vector<64x128xf32> to vector<8x8x128xf32>
    %swap3A_451 = arith.constant 28 : index
    %swap3A_452 = arith.constant 0 : index
    %swap3A_453 = arith.constant 0 : index
    %swap3A_454 = arith.constant 0 : index
    %swap3A_455 = arith.constant 0 : index
    %swap3A_456 = vector.load %arg2[%swap3A_451, %swap3A_452, %swap3A_453, %swap3A_454, %swap3A_455] : memref<50x8x1x8x128xf32, #tpu.memory_space<vmem>>, vector<1x8x1x8x128xf32>
    %swap3A_457 = vector.shape_cast %swap3A_456 : vector<1x8x1x8x128xf32> to vector<8x8x128xf32>
    %swap3A_458 = vector.shape_cast %reshape3A_450 : vector<8x8x128xf32> to vector<1x8x1x8x128xf32>
    tpu.vector_store %arg2[%swap3A_451, %swap3A_452, %swap3A_453, %swap3A_454, %swap3A_455], %swap3A_458 {strides = array<i32>} : memref<50x8x1x8x128xf32, #tpu.memory_space<vmem>>, vector<1x8x1x8x128xf32>,
    %get3A_459 = arith.constant 0 : index
    %get3A_460 = arith.constant 29 : index
    %get3A_461 = arith.constant 0 : index
    %get3A_462 = vector.load %arg1[%get3A_459, %get3A_460, %get3A_461] : memref<128x56x128xf32, #tpu.memory_space<vmem>>, vector<128x1x128xf32>
    %get3A_463 = vector.shape_cast %get3A_462 : vector<128x1x128xf32> to vector<128x128xf32>
    %transpose3A_464 = tpu.transpose %get3A_463, [1, 0] : vector<128x128xf32> -> vector<128x128xf32>
    %slice3A_465 = vector.extract_strided_slice %transpose3A_464 {offsets = [0, 0], sizes = [64, 128], strides = [1, 1]} : vector<128x128xf32> to vector<64x128xf32>
    %reshape3A_466 = vector.shape_cast %slice3A_465 : vector<64x128xf32> to vector<8x8x128xf32>
    %swap3A_467 = arith.constant 29 : index
    %swap3A_468 = arith.constant 0 : index
    %swap3A_469 = arith.constant 0 : index
    %swap3A_470 = arith.constant 0 : index
    %swap3A_471 = arith.constant 0 : index
    %swap3A_472 = vector.load %arg2[%swap3A_467, %swap3A_468, %swap3A_469, %swap3A_470, %swap3A_471] : memref<50x8x1x8x128xf32, #tpu.memory_space<vmem>>, vector<1x8x1x8x128xf32>
    %swap3A_473 = vector.shape_cast %swap3A_472 : vector<1x8x1x8x128xf32> to vector<8x8x128xf32>
    %swap3A_474 = vector.shape_cast %reshape3A_466 : vector<8x8x128xf32> to vector<1x8x1x8x128xf32>
    tpu.vector_store %arg2[%swap3A_467, %swap3A_468, %swap3A_469, %swap3A_470, %swap3A_471], %swap3A_474 {strides = array<i32>} : memref<50x8x1x8x128xf32, #tpu.memory_space<vmem>>, vector<1x8x1x8x128xf32>,
    %get3A_475 = arith.constant 0 : index
    %get3A_476 = arith.constant 30 : index
    %get3A_477 = arith.constant 0 : index
    %get3A_478 = vector.load %arg1[%get3A_475, %get3A_476, %get3A_477] : memref<128x56x128xf32, #tpu.memory_space<vmem>>, vector<128x1x128xf32>
    %get3A_479 = vector.shape_cast %get3A_478 : vector<128x1x128xf32> to vector<128x128xf32>
    %transpose3A_480 = tpu.transpose %get3A_479, [1, 0] : vector<128x128xf32> -> vector<128x128xf32>
    %slice3A_481 = vector.extract_strided_slice %transpose3A_480 {offsets = [0, 0], sizes = [64, 128], strides = [1, 1]} : vector<128x128xf32> to vector<64x128xf32>
    %reshape3A_482 = vector.shape_cast %slice3A_481 : vector<64x128xf32> to vector<8x8x128xf32>
    %swap3A_483 = arith.constant 30 : index
    %swap3A_484 = arith.constant 0 : index
    %swap3A_485 = arith.constant 0 : index
    %swap3A_486 = arith.constant 0 : index
    %swap3A_487 = arith.constant 0 : index
    %swap3A_488 = vector.load %arg2[%swap3A_483, %swap3A_484, %swap3A_485, %swap3A_486, %swap3A_487] : memref<50x8x1x8x128xf32, #tpu.memory_space<vmem>>, vector<1x8x1x8x128xf32>
    %swap3A_489 = vector.shape_cast %swap3A_488 : vector<1x8x1x8x128xf32> to vector<8x8x128xf32>
    %swap3A_490 = vector.shape_cast %reshape3A_482 : vector<8x8x128xf32> to vector<1x8x1x8x128xf32>
    tpu.vector_store %arg2[%swap3A_483, %swap3A_484, %swap3A_485, %swap3A_486, %swap3A_487], %swap3A_490 {strides = array<i32>} : memref<50x8x1x8x128xf32, #tpu.memory_space<vmem>>, vector<1x8x1x8x128xf32>,
    %get3A_491 = arith.constant 0 : index
    %get3A_492 = arith.constant 31 : index
    %get3A_493 = arith.constant 0 : index
    %get3A_494 = vector.load %arg1[%get3A_491, %get3A_492, %get3A_493] : memref<128x56x128xf32, #tpu.memory_space<vmem>>, vector<128x1x128xf32>
    %get3A_495 = vector.shape_cast %get3A_494 : vector<128x1x128xf32> to vector<128x128xf32>
    %transpose3A_496 = tpu.transpose %get3A_495, [1, 0] : vector<128x128xf32> -> vector<128x128xf32>
    %slice3A_497 = vector.extract_strided_slice %transpose3A_496 {offsets = [0, 0], sizes = [64, 128], strides = [1, 1]} : vector<128x128xf32> to vector<64x128xf32>
    %reshape3A_498 = vector.shape_cast %slice3A_497 : vector<64x128xf32> to vector<8x8x128xf32>
    %swap3A_499 = arith.constant 31 : index
    %swap3A_500 = arith.constant 0 : index
    %swap3A_501 = arith.constant 0 : index
    %swap3A_502 = arith.constant 0 : index
    %swap3A_503 = arith.constant 0 : index
    %swap3A_504 = vector.load %arg2[%swap3A_499, %swap3A_500, %swap3A_501, %swap3A_502, %swap3A_503] : memref<50x8x1x8x128xf32, #tpu.memory_space<vmem>>, vector<1x8x1x8x128xf32>
    %swap3A_505 = vector.shape_cast %swap3A_504 : vector<1x8x1x8x128xf32> to vector<8x8x128xf32>
    %swap3A_506 = vector.shape_cast %reshape3A_498 : vector<8x8x128xf32> to vector<1x8x1x8x128xf32>
    tpu.vector_store %arg2[%swap3A_499, %swap3A_500, %swap3A_501, %swap3A_502, %swap3A_503], %swap3A_506 {strides = array<i32>} : memref<50x8x1x8x128xf32, #tpu.memory_space<vmem>>, vector<1x8x1x8x128xf32>,
    %get3A_507 = arith.constant 0 : index
    %get3A_508 = arith.constant 32 : index
    %get3A_509 = arith.constant 0 : index
    %get3A_510 = vector.load %arg1[%get3A_507, %get3A_508, %get3A_509] : memref<128x56x128xf32, #tpu.memory_space<vmem>>, vector<128x1x128xf32>
    %get3A_511 = vector.shape_cast %get3A_510 : vector<128x1x128xf32> to vector<128x128xf32>
    %transpose3A_512 = tpu.transpose %get3A_511, [1, 0] : vector<128x128xf32> -> vector<128x128xf32>
    %slice3A_513 = vector.extract_strided_slice %transpose3A_512 {offsets = [0, 0], sizes = [64, 128], strides = [1, 1]} : vector<128x128xf32> to vector<64x128xf32>
    %reshape3A_514 = vector.shape_cast %slice3A_513 : vector<64x128xf32> to vector<8x8x128xf32>
    %swap3A_515 = arith.constant 32 : index
    %swap3A_516 = arith.constant 0 : index
    %swap3A_517 = arith.constant 0 : index
    %swap3A_518 = arith.constant 0 : index
    %swap3A_519 = arith.constant 0 : index
    %swap3A_520 = vector.load %arg2[%swap3A_515, %swap3A_516, %swap3A_517, %swap3A_518, %swap3A_519] : memref<50x8x1x8x128xf32, #tpu.memory_space<vmem>>, vector<1x8x1x8x128xf32>
    %swap3A_521 = vector.shape_cast %swap3A_520 : vector<1x8x1x8x128xf32> to vector<8x8x128xf32>
    %swap3A_522 = vector.shape_cast %reshape3A_514 : vector<8x8x128xf32> to vector<1x8x1x8x128xf32>
    tpu.vector_store %arg2[%swap3A_515, %swap3A_516, %swap3A_517, %swap3A_518, %swap3A_519], %swap3A_522 {strides = array<i32>} : memref<50x8x1x8x128xf32, #tpu.memory_space<vmem>>, vector<1x8x1x8x128xf32>,
    %get3A_523 = arith.constant 0 : index
    %get3A_524 = arith.constant 33 : index
    %get3A_525 = arith.constant 0 : index
    %get3A_526 = vector.load %arg1[%get3A_523, %get3A_524, %get3A_525] : memref<128x56x128xf32, #tpu.memory_space<vmem>>, vector<128x1x128xf32>
    %get3A_527 = vector.shape_cast %get3A_526 : vector<128x1x128xf32> to vector<128x128xf32>
    %transpose3A_528 = tpu.transpose %get3A_527, [1, 0] : vector<128x128xf32> -> vector<128x128xf32>
    %slice3A_529 = vector.extract_strided_slice %transpose3A_528 {offsets = [0, 0], sizes = [64, 128], strides = [1, 1]} : vector<128x128xf32> to vector<64x128xf32>
    %reshape3A_530 = vector.shape_cast %slice3A_529 : vector<64x128xf32> to vector<8x8x128xf32>
    %swap3A_531 = arith.constant 33 : index
    %swap3A_532 = arith.constant 0 : index
    %swap3A_533 = arith.constant 0 : index
    %swap3A_534 = arith.constant 0 : index
    %swap3A_535 = arith.constant 0 : index
    %swap3A_536 = vector.load %arg2[%swap3A_531, %swap3A_532, %swap3A_533, %swap3A_534, %swap3A_535] : memref<50x8x1x8x128xf32, #tpu.memory_space<vmem>>, vector<1x8x1x8x128xf32>
    %swap3A_537 = vector.shape_cast %swap3A_536 : vector<1x8x1x8x128xf32> to vector<8x8x128xf32>
    %swap3A_538 = vector.shape_cast %reshape3A_530 : vector<8x8x128xf32> to vector<1x8x1x8x128xf32>
    tpu.vector_store %arg2[%swap3A_531, %swap3A_532, %swap3A_533, %swap3A_534, %swap3A_535], %swap3A_538 {strides = array<i32>} : memref<50x8x1x8x128xf32, #tpu.memory_space<vmem>>, vector<1x8x1x8x128xf32>,
    %get3A_539 = arith.constant 0 : index
    %get3A_540 = arith.constant 34 : index
    %get3A_541 = arith.constant 0 : index
    %get3A_542 = vector.load %arg1[%get3A_539, %get3A_540, %get3A_541] : memref<128x56x128xf32, #tpu.memory_space<vmem>>, vector<128x1x128xf32>
    %get3A_543 = vector.shape_cast %get3A_542 : vector<128x1x128xf32> to vector<128x128xf32>
    %transpose3A_544 = tpu.transpose %get3A_543, [1, 0] : vector<128x128xf32> -> vector<128x128xf32>
    %slice3A_545 = vector.extract_strided_slice %transpose3A_544 {offsets = [0, 0], sizes = [64, 128], strides = [1, 1]} : vector<128x128xf32> to vector<64x128xf32>
    %reshape3A_546 = vector.shape_cast %slice3A_545 : vector<64x128xf32> to vector<8x8x128xf32>
    %swap3A_547 = arith.constant 34 : index
    %swap3A_548 = arith.constant 0 : index
    %swap3A_549 = arith.constant 0 : index
    %swap3A_550 = arith.constant 0 : index
    %swap3A_551 = arith.constant 0 : index
    %swap3A_552 = vector.load %arg2[%swap3A_547, %swap3A_548, %swap3A_549, %swap3A_550, %swap3A_551] : memref<50x8x1x8x128xf32, #tpu.memory_space<vmem>>, vector<1x8x1x8x128xf32>
    %swap3A_553 = vector.shape_cast %swap3A_552 : vector<1x8x1x8x128xf32> to vector<8x8x128xf32>
    %swap3A_554 = vector.shape_cast %reshape3A_546 : vector<8x8x128xf32> to vector<1x8x1x8x128xf32>
    tpu.vector_store %arg2[%swap3A_547, %swap3A_548, %swap3A_549, %swap3A_550, %swap3A_551], %swap3A_554 {strides = array<i32>} : memref<50x8x1x8x128xf32, #tpu.memory_space<vmem>>, vector<1x8x1x8x128xf32>,
    %get3A_555 = arith.constant 0 : index
    %get3A_556 = arith.constant 35 : index
    %get3A_557 = arith.constant 0 : index
    %get3A_558 = vector.load %arg1[%get3A_555, %get3A_556, %get3A_557] : memref<128x56x128xf32, #tpu.memory_space<vmem>>, vector<128x1x128xf32>
    %get3A_559 = vector.shape_cast %get3A_558 : vector<128x1x128xf32> to vector<128x128xf32>
    %transpose3A_560 = tpu.transpose %get3A_559, [1, 0] : vector<128x128xf32> -> vector<128x128xf32>
    %slice3A_561 = vector.extract_strided_slice %transpose3A_560 {offsets = [0, 0], sizes = [64, 128], strides = [1, 1]} : vector<128x128xf32> to vector<64x128xf32>
    %reshape3A_562 = vector.shape_cast %slice3A_561 : vector<64x128xf32> to vector<8x8x128xf32>
    %swap3A_563 = arith.constant 35 : index
    %swap3A_564 = arith.constant 0 : index
    %swap3A_565 = arith.constant 0 : index
    %swap3A_566 = arith.constant 0 : index
    %swap3A_567 = arith.constant 0 : index
    %swap3A_568 = vector.load %arg2[%swap3A_563, %swap3A_564, %swap3A_565, %swap3A_566, %swap3A_567] : memref<50x8x1x8x128xf32, #tpu.memory_space<vmem>>, vector<1x8x1x8x128xf32>
    %swap3A_569 = vector.shape_cast %swap3A_568 : vector<1x8x1x8x128xf32> to vector<8x8x128xf32>
    %swap3A_570 = vector.shape_cast %reshape3A_562 : vector<8x8x128xf32> to vector<1x8x1x8x128xf32>
    tpu.vector_store %arg2[%swap3A_563, %swap3A_564, %swap3A_565, %swap3A_566, %swap3A_567], %swap3A_570 {strides = array<i32>} : memref<50x8x1x8x128xf32, #tpu.memory_space<vmem>>, vector<1x8x1x8x128xf32>,
    %get3A_571 = arith.constant 0 : index
    %get3A_572 = arith.constant 36 : index
    %get3A_573 = arith.constant 0 : index
    %get3A_574 = vector.load %arg1[%get3A_571, %get3A_572, %get3A_573] : memref<128x56x128xf32, #tpu.memory_space<vmem>>, vector<128x1x128xf32>
    %get3A_575 = vector.shape_cast %get3A_574 : vector<128x1x128xf32> to vector<128x128xf32>
    %transpose3A_576 = tpu.transpose %get3A_575, [1, 0] : vector<128x128xf32> -> vector<128x128xf32>
    %slice3A_577 = vector.extract_strided_slice %transpose3A_576 {offsets = [0, 0], sizes = [64, 128], strides = [1, 1]} : vector<128x128xf32> to vector<64x128xf32>
    %reshape3A_578 = vector.shape_cast %slice3A_577 : vector<64x128xf32> to vector<8x8x128xf32>
    %swap3A_579 = arith.constant 36 : index
    %swap3A_580 = arith.constant 0 : index
    %swap3A_581 = arith.constant 0 : index
    %swap3A_582 = arith.constant 0 : index
    %swap3A_583 = arith.constant 0 : index
    %swap3A_584 = vector.load %arg2[%swap3A_579, %swap3A_580, %swap3A_581, %swap3A_582, %swap3A_583] : memref<50x8x1x8x128xf32, #tpu.memory_space<vmem>>, vector<1x8x1x8x128xf32>
    %swap3A_585 = vector.shape_cast %swap3A_584 : vector<1x8x1x8x128xf32> to vector<8x8x128xf32>
    %swap3A_586 = vector.shape_cast %reshape3A_578 : vector<8x8x128xf32> to vector<1x8x1x8x128xf32>
    tpu.vector_store %arg2[%swap3A_579, %swap3A_580, %swap3A_581, %swap3A_582, %swap3A_583], %swap3A_586 {strides = array<i32>} : memref<50x8x1x8x128xf32, #tpu.memory_space<vmem>>, vector<1x8x1x8x128xf32>,
    %get3A_587 = arith.constant 0 : index
    %get3A_588 = arith.constant 37 : index
    %get3A_589 = arith.constant 0 : index
    %get3A_590 = vector.load %arg1[%get3A_587, %get3A_588, %get3A_589] : memref<128x56x128xf32, #tpu.memory_space<vmem>>, vector<128x1x128xf32>
    %get3A_591 = vector.shape_cast %get3A_590 : vector<128x1x128xf32> to vector<128x128xf32>
    %transpose3A_592 = tpu.transpose %get3A_591, [1, 0] : vector<128x128xf32> -> vector<128x128xf32>
    %slice3A_593 = vector.extract_strided_slice %transpose3A_592 {offsets = [0, 0], sizes = [64, 128], strides = [1, 1]} : vector<128x128xf32> to vector<64x128xf32>
    %reshape3A_594 = vector.shape_cast %slice3A_593 : vector<64x128xf32> to vector<8x8x128xf32>
    %swap3A_595 = arith.constant 37 : index
    %swap3A_596 = arith.constant 0 : index
    %swap3A_597 = arith.constant 0 : index
    %swap3A_598 = arith.constant 0 : index
    %swap3A_599 = arith.constant 0 : index
    %swap3A_600 = vector.load %arg2[%swap3A_595, %swap3A_596, %swap3A_597, %swap3A_598, %swap3A_599] : memref<50x8x1x8x128xf32, #tpu.memory_space<vmem>>, vector<1x8x1x8x128xf32>
    %swap3A_601 = vector.shape_cast %swap3A_600 : vector<1x8x1x8x128xf32> to vector<8x8x128xf32>
    %swap3A_602 = vector.shape_cast %reshape3A_594 : vector<8x8x128xf32> to vector<1x8x1x8x128xf32>
    tpu.vector_store %arg2[%swap3A_595, %swap3A_596, %swap3A_597, %swap3A_598, %swap3A_599], %swap3A_602 {strides = array<i32>} : memref<50x8x1x8x128xf32, #tpu.memory_space<vmem>>, vector<1x8x1x8x128xf32>,
    %get3A_603 = arith.constant 0 : index
    %get3A_604 = arith.constant 38 : index
    %get3A_605 = arith.constant 0 : index
    %get3A_606 = vector.load %arg1[%get3A_603, %get3A_604, %get3A_605] : memref<128x56x128xf32, #tpu.memory_space<vmem>>, vector<128x1x128xf32>
    %get3A_607 = vector.shape_cast %get3A_606 : vector<128x1x128xf32> to vector<128x128xf32>
    %transpose3A_608 = tpu.transpose %get3A_607, [1, 0] : vector<128x128xf32> -> vector<128x128xf32>
    %slice3A_609 = vector.extract_strided_slice %transpose3A_608 {offsets = [0, 0], sizes = [64, 128], strides = [1, 1]} : vector<128x128xf32> to vector<64x128xf32>
    %reshape3A_610 = vector.shape_cast %slice3A_609 : vector<64x128xf32> to vector<8x8x128xf32>
    %swap3A_611 = arith.constant 38 : index
    %swap3A_612 = arith.constant 0 : index
    %swap3A_613 = arith.constant 0 : index
    %swap3A_614 = arith.constant 0 : index
    %swap3A_615 = arith.constant 0 : index
    %swap3A_616 = vector.load %arg2[%swap3A_611, %swap3A_612, %swap3A_613, %swap3A_614, %swap3A_615] : memref<50x8x1x8x128xf32, #tpu.memory_space<vmem>>, vector<1x8x1x8x128xf32>
    %swap3A_617 = vector.shape_cast %swap3A_616 : vector<1x8x1x8x128xf32> to vector<8x8x128xf32>
    %swap3A_618 = vector.shape_cast %reshape3A_610 : vector<8x8x128xf32> to vector<1x8x1x8x128xf32>
    tpu.vector_store %arg2[%swap3A_611, %swap3A_612, %swap3A_613, %swap3A_614, %swap3A_615], %swap3A_618 {strides = array<i32>} : memref<50x8x1x8x128xf32, #tpu.memory_space<vmem>>, vector<1x8x1x8x128xf32>,
    %get3A_619 = arith.constant 0 : index
    %get3A_620 = arith.constant 39 : index
    %get3A_621 = arith.constant 0 : index
    %get3A_622 = vector.load %arg1[%get3A_619, %get3A_620, %get3A_621] : memref<128x56x128xf32, #tpu.memory_space<vmem>>, vector<128x1x128xf32>
    %get3A_623 = vector.shape_cast %get3A_622 : vector<128x1x128xf32> to vector<128x128xf32>
    %transpose3A_624 = tpu.transpose %get3A_623, [1, 0] : vector<128x128xf32> -> vector<128x128xf32>
    %slice3A_625 = vector.extract_strided_slice %transpose3A_624 {offsets = [0, 0], sizes = [64, 128], strides = [1, 1]} : vector<128x128xf32> to vector<64x128xf32>
    %reshape3A_626 = vector.shape_cast %slice3A_625 : vector<64x128xf32> to vector<8x8x128xf32>
    %swap3A_627 = arith.constant 39 : index
    %swap3A_628 = arith.constant 0 : index
    %swap3A_629 = arith.constant 0 : index
    %swap3A_630 = arith.constant 0 : index
    %swap3A_631 = arith.constant 0 : index
    %swap3A_632 = vector.load %arg2[%swap3A_627, %swap3A_628, %swap3A_629, %swap3A_630, %swap3A_631] : memref<50x8x1x8x128xf32, #tpu.memory_space<vmem>>, vector<1x8x1x8x128xf32>
    %swap3A_633 = vector.shape_cast %swap3A_632 : vector<1x8x1x8x128xf32> to vector<8x8x128xf32>
    %swap3A_634 = vector.shape_cast %reshape3A_626 : vector<8x8x128xf32> to vector<1x8x1x8x128xf32>
    tpu.vector_store %arg2[%swap3A_627, %swap3A_628, %swap3A_629, %swap3A_630, %swap3A_631], %swap3A_634 {strides = array<i32>} : memref<50x8x1x8x128xf32, #tpu.memory_space<vmem>>, vector<1x8x1x8x128xf32>,
    %get3A_635 = arith.constant 0 : index
    %get3A_636 = arith.constant 40 : index
    %get3A_637 = arith.constant 0 : index
    %get3A_638 = vector.load %arg1[%get3A_635, %get3A_636, %get3A_637] : memref<128x56x128xf32, #tpu.memory_space<vmem>>, vector<128x1x128xf32>
    %get3A_639 = vector.shape_cast %get3A_638 : vector<128x1x128xf32> to vector<128x128xf32>
    %transpose3A_640 = tpu.transpose %get3A_639, [1, 0] : vector<128x128xf32> -> vector<128x128xf32>
    %slice3A_641 = vector.extract_strided_slice %transpose3A_640 {offsets = [0, 0], sizes = [64, 128], strides = [1, 1]} : vector<128x128xf32> to vector<64x128xf32>
    %reshape3A_642 = vector.shape_cast %slice3A_641 : vector<64x128xf32> to vector<8x8x128xf32>
    %swap3A_643 = arith.constant 40 : index
    %swap3A_644 = arith.constant 0 : index
    %swap3A_645 = arith.constant 0 : index
    %swap3A_646 = arith.constant 0 : index
    %swap3A_647 = arith.constant 0 : index
    %swap3A_648 = vector.load %arg2[%swap3A_643, %swap3A_644, %swap3A_645, %swap3A_646, %swap3A_647] : memref<50x8x1x8x128xf32, #tpu.memory_space<vmem>>, vector<1x8x1x8x128xf32>
    %swap3A_649 = vector.shape_cast %swap3A_648 : vector<1x8x1x8x128xf32> to vector<8x8x128xf32>
    %swap3A_650 = vector.shape_cast %reshape3A_642 : vector<8x8x128xf32> to vector<1x8x1x8x128xf32>
    tpu.vector_store %arg2[%swap3A_643, %swap3A_644, %swap3A_645, %swap3A_646, %swap3A_647], %swap3A_650 {strides = array<i32>} : memref<50x8x1x8x128xf32, #tpu.memory_space<vmem>>, vector<1x8x1x8x128xf32>,
    %get3A_651 = arith.constant 0 : index
    %get3A_652 = arith.constant 41 : index
    %get3A_653 = arith.constant 0 : index
    %get3A_654 = vector.load %arg1[%get3A_651, %get3A_652, %get3A_653] : memref<128x56x128xf32, #tpu.memory_space<vmem>>, vector<128x1x128xf32>
    %get3A_655 = vector.shape_cast %get3A_654 : vector<128x1x128xf32> to vector<128x128xf32>
    %transpose3A_656 = tpu.transpose %get3A_655, [1, 0] : vector<128x128xf32> -> vector<128x128xf32>
    %slice3A_657 = vector.extract_strided_slice %transpose3A_656 {offsets = [0, 0], sizes = [64, 128], strides = [1, 1]} : vector<128x128xf32> to vector<64x128xf32>
    %reshape3A_658 = vector.shape_cast %slice3A_657 : vector<64x128xf32> to vector<8x8x128xf32>
    %swap3A_659 = arith.constant 41 : index
    %swap3A_660 = arith.constant 0 : index
    %swap3A_661 = arith.constant 0 : index
    %swap3A_662 = arith.constant 0 : index
    %swap3A_663 = arith.constant 0 : index
    %swap3A_664 = vector.load %arg2[%swap3A_659, %swap3A_660, %swap3A_661, %swap3A_662, %swap3A_663] : memref<50x8x1x8x128xf32, #tpu.memory_space<vmem>>, vector<1x8x1x8x128xf32>
    %swap3A_665 = vector.shape_cast %swap3A_664 : vector<1x8x1x8x128xf32> to vector<8x8x128xf32>
    %swap3A_666 = vector.shape_cast %reshape3A_658 : vector<8x8x128xf32> to vector<1x8x1x8x128xf32>
    tpu.vector_store %arg2[%swap3A_659, %swap3A_660, %swap3A_661, %swap3A_662, %swap3A_663], %swap3A_666 {strides = array<i32>} : memref<50x8x1x8x128xf32, #tpu.memory_space<vmem>>, vector<1x8x1x8x128xf32>,
    %get3A_667 = arith.constant 0 : index
    %get3A_668 = arith.constant 42 : index
    %get3A_669 = arith.constant 0 : index
    %get3A_670 = vector.load %arg1[%get3A_667, %get3A_668, %get3A_669] : memref<128x56x128xf32, #tpu.memory_space<vmem>>, vector<128x1x128xf32>
    %get3A_671 = vector.shape_cast %get3A_670 : vector<128x1x128xf32> to vector<128x128xf32>
    %transpose3A_672 = tpu.transpose %get3A_671, [1, 0] : vector<128x128xf32> -> vector<128x128xf32>
    %slice3A_673 = vector.extract_strided_slice %transpose3A_672 {offsets = [0, 0], sizes = [64, 128], strides = [1, 1]} : vector<128x128xf32> to vector<64x128xf32>
    %reshape3A_674 = vector.shape_cast %slice3A_673 : vector<64x128xf32> to vector<8x8x128xf32>
    %swap3A_675 = arith.constant 42 : index
    %swap3A_676 = arith.constant 0 : index
    %swap3A_677 = arith.constant 0 : index
    %swap3A_678 = arith.constant 0 : index
    %swap3A_679 = arith.constant 0 : index
    %swap3A_680 = vector.load %arg2[%swap3A_675, %swap3A_676, %swap3A_677, %swap3A_678, %swap3A_679] : memref<50x8x1x8x128xf32, #tpu.memory_space<vmem>>, vector<1x8x1x8x128xf32>
    %swap3A_681 = vector.shape_cast %swap3A_680 : vector<1x8x1x8x128xf32> to vector<8x8x128xf32>
    %swap3A_682 = vector.shape_cast %reshape3A_674 : vector<8x8x128xf32> to vector<1x8x1x8x128xf32>
    tpu.vector_store %arg2[%swap3A_675, %swap3A_676, %swap3A_677, %swap3A_678, %swap3A_679], %swap3A_682 {strides = array<i32>} : memref<50x8x1x8x128xf32, #tpu.memory_space<vmem>>, vector<1x8x1x8x128xf32>,
    %get3A_683 = arith.constant 0 : index
    %get3A_684 = arith.constant 43 : index
    %get3A_685 = arith.constant 0 : index
    %get3A_686 = vector.load %arg1[%get3A_683, %get3A_684, %get3A_685] : memref<128x56x128xf32, #tpu.memory_space<vmem>>, vector<128x1x128xf32>
    %get3A_687 = vector.shape_cast %get3A_686 : vector<128x1x128xf32> to vector<128x128xf32>
    %transpose3A_688 = tpu.transpose %get3A_687, [1, 0] : vector<128x128xf32> -> vector<128x128xf32>
    %slice3A_689 = vector.extract_strided_slice %transpose3A_688 {offsets = [0, 0], sizes = [64, 128], strides = [1, 1]} : vector<128x128xf32> to vector<64x128xf32>
    %reshape3A_690 = vector.shape_cast %slice3A_689 : vector<64x128xf32> to vector<8x8x128xf32>
    %swap3A_691 = arith.constant 43 : index
    %swap3A_692 = arith.constant 0 : index
    %swap3A_693 = arith.constant 0 : index
    %swap3A_694 = arith.constant 0 : index
    %swap3A_695 = arith.constant 0 : index
    %swap3A_696 = vector.load %arg2[%swap3A_691, %swap3A_692, %swap3A_693, %swap3A_694, %swap3A_695] : memref<50x8x1x8x128xf32, #tpu.memory_space<vmem>>, vector<1x8x1x8x128xf32>
    %swap3A_697 = vector.shape_cast %swap3A_696 : vector<1x8x1x8x128xf32> to vector<8x8x128xf32>
    %swap3A_698 = vector.shape_cast %reshape3A_690 : vector<8x8x128xf32> to vector<1x8x1x8x128xf32>
    tpu.vector_store %arg2[%swap3A_691, %swap3A_692, %swap3A_693, %swap3A_694, %swap3A_695], %swap3A_698 {strides = array<i32>} : memref<50x8x1x8x128xf32, #tpu.memory_space<vmem>>, vector<1x8x1x8x128xf32>,
    %get3A_699 = arith.constant 0 : index
    %get3A_700 = arith.constant 44 : index
    %get3A_701 = arith.constant 0 : index
    %get3A_702 = vector.load %arg1[%get3A_699, %get3A_700, %get3A_701] : memref<128x56x128xf32, #tpu.memory_space<vmem>>, vector<128x1x128xf32>
    %get3A_703 = vector.shape_cast %get3A_702 : vector<128x1x128xf32> to vector<128x128xf32>
    %transpose3A_704 = tpu.transpose %get3A_703, [1, 0] : vector<128x128xf32> -> vector<128x128xf32>
    %slice3A_705 = vector.extract_strided_slice %transpose3A_704 {offsets = [0, 0], sizes = [64, 128], strides = [1, 1]} : vector<128x128xf32> to vector<64x128xf32>
    %reshape3A_706 = vector.shape_cast %slice3A_705 : vector<64x128xf32> to vector<8x8x128xf32>
    %swap3A_707 = arith.constant 44 : index
    %swap3A_708 = arith.constant 0 : index
    %swap3A_709 = arith.constant 0 : index
    %swap3A_710 = arith.constant 0 : index
    %swap3A_711 = arith.constant 0 : index
    %swap3A_712 = vector.load %arg2[%swap3A_707, %swap3A_708, %swap3A_709, %swap3A_710, %swap3A_711] : memref<50x8x1x8x128xf32, #tpu.memory_space<vmem>>, vector<1x8x1x8x128xf32>
    %swap3A_713 = vector.shape_cast %swap3A_712 : vector<1x8x1x8x128xf32> to vector<8x8x128xf32>
    %swap3A_714 = vector.shape_cast %reshape3A_706 : vector<8x8x128xf32> to vector<1x8x1x8x128xf32>
    tpu.vector_store %arg2[%swap3A_707, %swap3A_708, %swap3A_709, %swap3A_710, %swap3A_711], %swap3A_714 {strides = array<i32>} : memref<50x8x1x8x128xf32, #tpu.memory_space<vmem>>, vector<1x8x1x8x128xf32>,
    %get3A_715 = arith.constant 0 : index
    %get3A_716 = arith.constant 45 : index
    %get3A_717 = arith.constant 0 : index
    %get3A_718 = vector.load %arg1[%get3A_715, %get3A_716, %get3A_717] : memref<128x56x128xf32, #tpu.memory_space<vmem>>, vector<128x1x128xf32>
    %get3A_719 = vector.shape_cast %get3A_718 : vector<128x1x128xf32> to vector<128x128xf32>
    %transpose3A_720 = tpu.transpose %get3A_719, [1, 0] : vector<128x128xf32> -> vector<128x128xf32>
    %slice3A_721 = vector.extract_strided_slice %transpose3A_720 {offsets = [0, 0], sizes = [64, 128], strides = [1, 1]} : vector<128x128xf32> to vector<64x128xf32>
    %reshape3A_722 = vector.shape_cast %slice3A_721 : vector<64x128xf32> to vector<8x8x128xf32>
    %swap3A_723 = arith.constant 45 : index
    %swap3A_724 = arith.constant 0 : index
    %swap3A_725 = arith.constant 0 : index
    %swap3A_726 = arith.constant 0 : index
    %swap3A_727 = arith.constant 0 : index
    %swap3A_728 = vector.load %arg2[%swap3A_723, %swap3A_724, %swap3A_725, %swap3A_726, %swap3A_727] : memref<50x8x1x8x128xf32, #tpu.memory_space<vmem>>, vector<1x8x1x8x128xf32>
    %swap3A_729 = vector.shape_cast %swap3A_728 : vector<1x8x1x8x128xf32> to vector<8x8x128xf32>
    %swap3A_730 = vector.shape_cast %reshape3A_722 : vector<8x8x128xf32> to vector<1x8x1x8x128xf32>
    tpu.vector_store %arg2[%swap3A_723, %swap3A_724, %swap3A_725, %swap3A_726, %swap3A_727], %swap3A_730 {strides = array<i32>} : memref<50x8x1x8x128xf32, #tpu.memory_space<vmem>>, vector<1x8x1x8x128xf32>,
    %get3A_731 = arith.constant 0 : index
    %get3A_732 = arith.constant 46 : index
    %get3A_733 = arith.constant 0 : index
    %get3A_734 = vector.load %arg1[%get3A_731, %get3A_732, %get3A_733] : memref<128x56x128xf32, #tpu.memory_space<vmem>>, vector<128x1x128xf32>
    %get3A_735 = vector.shape_cast %get3A_734 : vector<128x1x128xf32> to vector<128x128xf32>
    %transpose3A_736 = tpu.transpose %get3A_735, [1, 0] : vector<128x128xf32> -> vector<128x128xf32>
    %slice3A_737 = vector.extract_strided_slice %transpose3A_736 {offsets = [0, 0], sizes = [64, 128], strides = [1, 1]} : vector<128x128xf32> to vector<64x128xf32>
    %reshape3A_738 = vector.shape_cast %slice3A_737 : vector<64x128xf32> to vector<8x8x128xf32>
    %swap3A_739 = arith.constant 46 : index
    %swap3A_740 = arith.constant 0 : index
    %swap3A_741 = arith.constant 0 : index
    %swap3A_742 = arith.constant 0 : index
    %swap3A_743 = arith.constant 0 : index
    %swap3A_744 = vector.load %arg2[%swap3A_739, %swap3A_740, %swap3A_741, %swap3A_742, %swap3A_743] : memref<50x8x1x8x128xf32, #tpu.memory_space<vmem>>, vector<1x8x1x8x128xf32>
    %swap3A_745 = vector.shape_cast %swap3A_744 : vector<1x8x1x8x128xf32> to vector<8x8x128xf32>
    %swap3A_746 = vector.shape_cast %reshape3A_738 : vector<8x8x128xf32> to vector<1x8x1x8x128xf32>
    tpu.vector_store %arg2[%swap3A_739, %swap3A_740, %swap3A_741, %swap3A_742, %swap3A_743], %swap3A_746 {strides = array<i32>} : memref<50x8x1x8x128xf32, #tpu.memory_space<vmem>>, vector<1x8x1x8x128xf32>,
    %get3A_747 = arith.constant 0 : index
    %get3A_748 = arith.constant 47 : index
    %get3A_749 = arith.constant 0 : index
    %get3A_750 = vector.load %arg1[%get3A_747, %get3A_748, %get3A_749] : memref<128x56x128xf32, #tpu.memory_space<vmem>>, vector<128x1x128xf32>
    %get3A_751 = vector.shape_cast %get3A_750 : vector<128x1x128xf32> to vector<128x128xf32>
    %transpose3A_752 = tpu.transpose %get3A_751, [1, 0] : vector<128x128xf32> -> vector<128x128xf32>
    %slice3A_753 = vector.extract_strided_slice %transpose3A_752 {offsets = [0, 0], sizes = [64, 128], strides = [1, 1]} : vector<128x128xf32> to vector<64x128xf32>
    %reshape3A_754 = vector.shape_cast %slice3A_753 : vector<64x128xf32> to vector<8x8x128xf32>
    %swap3A_755 = arith.constant 47 : index
    %swap3A_756 = arith.constant 0 : index
    %swap3A_757 = arith.constant 0 : index
    %swap3A_758 = arith.constant 0 : index
    %swap3A_759 = arith.constant 0 : index
    %swap3A_760 = vector.load %arg2[%swap3A_755, %swap3A_756, %swap3A_757, %swap3A_758, %swap3A_759] : memref<50x8x1x8x128xf32, #tpu.memory_space<vmem>>, vector<1x8x1x8x128xf32>
    %swap3A_761 = vector.shape_cast %swap3A_760 : vector<1x8x1x8x128xf32> to vector<8x8x128xf32>
    %swap3A_762 = vector.shape_cast %reshape3A_754 : vector<8x8x128xf32> to vector<1x8x1x8x128xf32>
    tpu.vector_store %arg2[%swap3A_755, %swap3A_756, %swap3A_757, %swap3A_758, %swap3A_759], %swap3A_762 {strides = array<i32>} : memref<50x8x1x8x128xf32, #tpu.memory_space<vmem>>, vector<1x8x1x8x128xf32>,
    %get3A_763 = arith.constant 0 : index
    %get3A_764 = arith.constant 48 : index
    %get3A_765 = arith.constant 0 : index
    %get3A_766 = vector.load %arg1[%get3A_763, %get3A_764, %get3A_765] : memref<128x56x128xf32, #tpu.memory_space<vmem>>, vector<128x1x128xf32>
    %get3A_767 = vector.shape_cast %get3A_766 : vector<128x1x128xf32> to vector<128x128xf32>
    %transpose3A_768 = tpu.transpose %get3A_767, [1, 0] : vector<128x128xf32> -> vector<128x128xf32>
    %slice3A_769 = vector.extract_strided_slice %transpose3A_768 {offsets = [0, 0], sizes = [64, 128], strides = [1, 1]} : vector<128x128xf32> to vector<64x128xf32>
    %reshape3A_770 = vector.shape_cast %slice3A_769 : vector<64x128xf32> to vector<8x8x128xf32>
    %swap3A_771 = arith.constant 48 : index
    %swap3A_772 = arith.constant 0 : index
    %swap3A_773 = arith.constant 0 : index
    %swap3A_774 = arith.constant 0 : index
    %swap3A_775 = arith.constant 0 : index
    %swap3A_776 = vector.load %arg2[%swap3A_771, %swap3A_772, %swap3A_773, %swap3A_774, %swap3A_775] : memref<50x8x1x8x128xf32, #tpu.memory_space<vmem>>, vector<1x8x1x8x128xf32>
    %swap3A_777 = vector.shape_cast %swap3A_776 : vector<1x8x1x8x128xf32> to vector<8x8x128xf32>
    %swap3A_778 = vector.shape_cast %reshape3A_770 : vector<8x8x128xf32> to vector<1x8x1x8x128xf32>
    tpu.vector_store %arg2[%swap3A_771, %swap3A_772, %swap3A_773, %swap3A_774, %swap3A_775], %swap3A_778 {strides = array<i32>} : memref<50x8x1x8x128xf32, #tpu.memory_space<vmem>>, vector<1x8x1x8x128xf32>,
    %get3A_779 = arith.constant 0 : index
    %get3A_780 = arith.constant 49 : index
    %get3A_781 = arith.constant 0 : index
    %get3A_782 = vector.load %arg1[%get3A_779, %get3A_780, %get3A_781] : memref<128x56x128xf32, #tpu.memory_space<vmem>>, vector<128x1x128xf32>
    %get3A_783 = vector.shape_cast %get3A_782 : vector<128x1x128xf32> to vector<128x128xf32>
    %transpose3A_784 = tpu.transpose %get3A_783, [1, 0] : vector<128x128xf32> -> vector<128x128xf32>
    %slice3A_785 = vector.extract_strided_slice %transpose3A_784 {offsets = [0, 0], sizes = [64, 128], strides = [1, 1]} : vector<128x128xf32> to vector<64x128xf32>
    %reshape3A_786 = vector.shape_cast %slice3A_785 : vector<64x128xf32> to vector<8x8x128xf32>
    %swap3A_787 = arith.constant 49 : index
    %swap3A_788 = arith.constant 0 : index
    %swap3A_789 = arith.constant 0 : index
    %swap3A_790 = arith.constant 0 : index
    %swap3A_791 = arith.constant 0 : index
    %swap3A_792 = vector.load %arg2[%swap3A_787, %swap3A_788, %swap3A_789, %swap3A_790, %swap3A_791] : memref<50x8x1x8x128xf32, #tpu.memory_space<vmem>>, vector<1x8x1x8x128xf32>
    %swap3A_793 = vector.shape_cast %swap3A_792 : vector<1x8x1x8x128xf32> to vector<8x8x128xf32>
    %swap3A_794 = vector.shape_cast %reshape3A_786 : vector<8x8x128xf32> to vector<1x8x1x8x128xf32>
    tpu.vector_store %arg2[%swap3A_787, %swap3A_788, %swap3A_789, %swap3A_790, %swap3A_791], %swap3A_794 {strides = array<i32>} : memref<50x8x1x8x128xf32, #tpu.memory_space<vmem>>, vector<1x8x1x8x128xf32>,
    return
  }
  func.func @transform_0(%arg0: i32) -> (i32, i32, i32) {
    %c0_i32 = arith.constant 0 : i32
    %c0_i32_0 = arith.constant 0 : i32
    %c0_i32_1 = arith.constant 0 : i32
    return %arg0, %c0_i32, %c0_i32_0 : i32, i32, i32
  }
  func.func @transform_1(%arg0: i32) -> (i32, i32, i32, i32, i32) {
    %c0_i32 = arith.constant 0 : i32
    %c0_i32_0 = arith.constant 0 : i32
    %c0_i32_1 = arith.constant 0 : i32
    %c0_i32_2 = arith.constant 0 : i32
    %c0_i32_3 = arith.constant 0 : i32
    return %c0_i32, %c0_i32_0, %arg0, %c0_i32_1, %c0_i32_2 : i32, i32, i32, i32, i32
  }
}

</mosaic_0001>

<sc_bundles>
// kernel: kernel.4.cloned.1.call-start
scs
__scs_entry_jumppad:
0x0: {  	(pc) =	sbr.rel $0x88, $3  }
0x1: {  	(tag) =	ssettag $0x0;
	lr =	simm.s32 $0x1  }
0x2: {  	[smem:$0x3F9F] =	sst lr;
	_ =	strace $0xD0000000  }
0x3: {  	_ = 	snop  }
0x4: {  	_ = 	snop  }
0x5: {  	_ = 	snop  }
0x6: {  	_ = 	snop  }
0x7: {  	_ = 	snop  }
__scs_overlays_trampoline_lowered:
0x8: {  	[smem:$0x3FAE] =	sst s0  }
0x9: {  	[smem:$0x3FAF] =	sst s1  }
0xa: {  	[smem:$0x3FB0] =	sst s2  }
0xb: {  	[smem:$0x3FB1] =	sst s3  }
0xc: {  	[smem:$0x3FB2] =	sst s4  }
0xd: {  	[smem:$0x3FB3] =	sst s5  }
0xe: {  	[smem:$0x3FB4] =	sst s6  }
0xf: {  	[smem:$0x3FB5] =	sst s7  }
0x10: {  	[smem:$0x3FB6] =	sst s8  }
0x11: {  	[smem:$0x3FB7] =	sst s9;
	s0 =	simm.s32 @!p0 $0x0  }
0x12: {  	s1 =	sld [smem:$0x3F9D];
	s0 =	simm.s32 @p0 $0x1  }
0x13: {  	[smem:$0x3FB8] =	sst s0;
	s0 =	simm.s32 @!p1 $0x0  }
0x14: {  	s2 =	sld [smem:$0x3F9C];
	s0 =	simm.s32 @p1 $0x1  }
0x15: {  	[smem:$0x3FB9] =	sst s0;
	s0 =	simm.s32 @!p2 $0x0  }
0x16: {  	s3 =	sld [smem:$0x3FDB];
	s0 =	simm.s32 @p2 $0x1  }
0x17: {  	s4 =	simm.s32 $0x1BF5;
	[smem:$0x3FBB] =	sst s0  }
0x18: {  	s0 =	sld [smem:$0x3F9E];
	_ =	swait.ge [sflag:s4], $0x0  }
0x19: {  	s7 =	sld [smem:$0x3F9F]  }
0x1a: {  	s8 =	sadd.s32 $0xFFFFE003, lr  }
0x1b: {  	s9 =	sadd.s32 $0xFFFFFEF7, lr;
	s5 =	simm.s32 $0xFFFFFFFF;
	p2 =	slt.u32 s8, $0xFFFFF086  }
0x1c: {  	p1 =	slt.u32 s9, $0xF7A;
	s5 =	simm.s32 @!p2 $0x0  }
0x1d: {  	s5 =	simm.s32 @p1 $0x1;
	p0 =	seq.s32 s7, s2  }
0x1e: {  	s7 =	smul.u32 @!p0 $0xF7A, s2;
	p2 =	seq.s32 @!p0 s5, $0x0  }
0x1f: {  	s9 =	smul.u32 $0xF7A, s1;
	s8 =	simm.s32 @!p0 $0x1BF5;
	p2 =	por !p2, p0  }
0x20: {  	[sflag:s8] =	ssyncset.s32 @!p0 $0xFFFFF086;
	s6 =	sadd.s32 @!p0 s3, s7;
	s7 =	simm.s32 @!p0 $0x108  }
0x21: {  	s3 =	sadd.s32 s3, s9;
	s6 =	sadd.s32 @!p0 $0x88, s6;
	s7 =	simm.s32 @p2 $0x1082  }
0x22: {  	[simem:s7], [sflag:s8] =	dma.local @!p0 [hbm:s6], $0xF7A  }
0x23: {  	s9 =	sor.u32 $0xD0000000, s2;
	s6 =	simm.s32 $0x108;
	_ =	swait.ge @!p0 [sflag:s8], $0x0  }
0x24: {  	s3 =	sadd.s32 $0x88, s3;
	s6 =	simm.s32 @!p1 $0x1082;
	[sflag:s4] =	ssyncset.s32 $0xFFFFF086  }
0x25: {  	[simem:s6], [sflag:s4] =	dma.local [hbm:s3], $0xF7A  }
0x26: {  	[smem:$0x3F9F] =	sst s1;
	(tag) =	ssettag s2;
	_ =	strace s9  }
0x27: {  	s1 =	sld [smem:$0x3FAF]  }
0x28: {  	s2 =	sld [smem:$0x3FB0]  }
0x29: {  	s4 =	sld [smem:$0x3FB2]  }
0x2a: {  	p0 =	seq.s32 s5, $0x0;
	s5 =	sld [smem:$0x3FB3]  }
0x2b: {  	s6 =	sld [smem:$0x3FB4]  }
0x2c: {  	s7 =	sld [smem:$0x3FB5]  }
0x2d: {  	s3 =	simm.s32 $0x108;
	s8 =	sld [smem:$0x3FB6]  }
0x2e: {  	s3 =	simm.s32 @!p0 $0x1082;
	s9 =	sld [smem:$0x3FB7]  }
0x2f: {  	lr =	sadd.s32 s0, s3;
	s0 =	sld [smem:$0x3FAE]  }
0x30: {  	s3 =	sld [smem:$0x3FB1]  }
0x31: {  	[smem:$0x3FBA] =	sst s10  }
0x32: {  	s10 =	sld [smem:$0x3FB8];
	_ =	sdelay $0x3  }
0x33: {  	p0 =	seq.s32 s10, $0x1;
	s10 =	sld [smem:$0x3FBA];
	_ =	sdelay $0x3  }
0x34: {  	[smem:$0x3FBA] =	sst s10  }
0x35: {  	s10 =	sld [smem:$0x3FB9];
	_ =	sdelay $0x3  }
0x36: {  	p1 =	seq.s32 s10, $0x1;
	s10 =	sld [smem:$0x3FBA];
	_ =	sdelay $0x3  }
0x37: {  	[smem:$0x3FBA] =	sst s10  }
0x38: {  	s10 =	sld [smem:$0x3FBB]  }
0x39: {  	_ = 	snop;
	(pc) =	sbr.ind lr, $3  }
0x3a: {  	_ = 	snop  }
0x3b: {  	_ = 	snop  }
0x3c: {  	p2 =	seq.s32 s10, $0x1;
	s10 =	sld [smem:$0x3FBA]  }
0x3d: {  	_ =	shalt  }
0x3e: {  	_ =	shalt  }
0x3f: {  	_ =	shalt  }
0x40: {  	_ =	shalt  }
0x41: {  	_ =	shalt  }
0x42: {  	_ =	shalt  }
0x43: {  	_ =	shalt  }
0x44: {  	_ =	shalt  }
0x45: {  	_ =	shalt  }
0x46: {  	_ =	shalt  }
0x47: {  	_ =	shalt  }
0x48: {  	_ =	shalt  }
0x49: {  	_ =	shalt  }
0x4a: {  	_ =	shalt  }
0x4b: {  	_ =	shalt  }
0x4c: {  	_ =	shalt  }
0x4d: {  	_ =	shalt  }
0x4e: {  	_ =	shalt  }
0x4f: {  	_ =	shalt  }
0x50: {  	_ =	shalt  }
0x51: {  	_ =	shalt  }
0x52: {  	_ =	shalt  }
0x53: {  	_ =	shalt  }
0x54: {  	_ =	shalt  }
0x55: {  	_ =	shalt  }
0x56: {  	_ =	shalt  }
0x57: {  	_ =	shalt  }
0x58: {  	_ =	shalt  }
0x59: {  	_ =	shalt  }
0x5a: {  	_ =	shalt  }
0x5b: {  	_ =	shalt  }
0x5c: {  	_ =	shalt  }
0x5d: {  	_ =	shalt  }
0x5e: {  	_ =	shalt  }
0x5f: {  	_ =	shalt  }
0x60: {  	_ =	shalt  }
0x61: {  	_ =	shalt  }
0x62: {  	_ =	shalt  }
0x63: {  	_ =	shalt  }
0x64: {  	_ =	shalt  }
0x65: {  	_ =	shalt  }
0x66: {  	_ =	shalt  }
0x67: {  	_ =	shalt  }
0x68: {  	_ =	shalt  }
0x69: {  	_ =	shalt  }
0x6a: {  	_ =	shalt  }
0x6b: {  	_ =	shalt  }
0x6c: {  	_ =	shalt  }
0x6d: {  	_ =	shalt  }
0x6e: {  	_ =	shalt  }
0x6f: {  	_ =	shalt  }
0x70: {  	_ =	shalt  }
0x71: {  	_ =	shalt  }
0x72: {  	_ =	shalt  }
0x73: {  	_ =	shalt  }
0x74: {  	_ =	shalt  }
0x75: {  	_ =	shalt  }
0x76: {  	_ =	shalt  }
0x77: {  	_ =	shalt  }
0x78: {  	_ =	shalt  }
0x79: {  	_ =	shalt  }
0x7a: {  	_ =	shalt  }
0x7b: {  	_ =	shalt  }
0x7c: {  	_ =	shalt  }
0x7d: {  	_ =	shalt  }
0x7e: {  	_ =	shalt  }
0x7f: {  	_ =	shalt  }
0x80: {  	_ =	shalt  }
0x81: {  	_ =	shalt  }
0x82: {  	_ =	shalt  }
0x83: {  	_ =	shalt  }
0x84: {  	_ =	shalt  }
0x85: {  	_ =	shalt  }
0x86: {  	_ =	shalt  }
0x87: {  	_ =	shalt  }
.Lfunc_end0:
.L_simem_size_0:
called_computation_lowered:
.L_overlay_start_0:
0x88: {  	s2 =	sld [smem:$0x3FD9]  }
0x89: {  	s3 =	sld [smem:$0x3FFE];
	_ =	sdelay $0x1  }
0x8a: {  	s1 =	srdreg.scid  }
0x8b: {  	s0 =	sand.u32 $0x1, s1  }
0x8c: {  	s16 =	sshll.u32 s0, $0xA;
	s2 =	sadd.s32 s3, s2  }
0x8d: {  	s2 =	sadd.s32 s2, s16  }
0x8e: {  	[smem:$0x3FC6] =	sst s2  }
0x8f: {  	_ = 	snop  }
0x90: {  	(tm) =	ssettm $0x1  }
0x91: {  	s17 =	sld [smem:$0x3FFB];
	_ =	sdelay $0x3  }
0x92: {  	_ =	strace s17  }
0x93: {  	s2 =	sld [smem:$0x3FFC];
	_ =	sdelay $0x3  }
0x94: {  	_ =	strace s2  }
0x95: {  	s2 =	sld [smem:$0x3FFD];
	_ =	sdelay $0x3  }
0x96: {  	_ =	strace s2  }
0x97: {  	_ =	strace $0x8FFFFFFF  }
0x98: {  	s18 =	sld [smem:$0x3FDB];
	_ =	sdelay $0x1  }
0x99: {  	s19 =	simm.s32 $_scs_section_size  }
0x9a: {  	s4 =	simm.s32 $_size__tile_overlayer_lowered;
	s5 =	simm.s32 $_tile_overlayer_lowered  }
0x9b: {  	s22 =	simm.s32 $0x1BFF;
	s21 =	sshll.u32 s5, $0x1;
	s2 =	sadd.s32 s19, s18  }
0x9c: {  	s6 =	simm.s32 $0x0;
	s20 =	sshll.u32 s4, $0x1;
	s4 =	sadd.s32 s21, s2  }
0x9d: {  	[timem:s6], [sflag:s22] =	dma.local [hbm:s4], s20  }
0x9e: {  	_ =	swait.ge [sflag:s22], s20  }
0x9f: {  	s3 =	ssub.s32 $0x0, s20;
	[sflag:s22] =	ssyncset.done $0x0  }
0xa0: {  	[sflag:s22] =	ssyncadd.s32 s3;
	_ =	sdelay $0x1  }
0xa1: {  	s23 =	simm.s32 $0x1B8B  }
0xa2: {  	_ =	swait.ge [sflag:s23], $0x1  }
0xa3: {  	[sflag:s23] =	ssyncset.done $0x0  }
0xa4: {  	s25 =	simm.s32 $0x1B8E;
	s24 =	sld [smem:$0x3FFE];
	[sflag:s23] =	ssyncadd.s32 $0xFFFFFFFF  }
0xa5: {  	s26 =	simm.s32 $execute0_lowered;
	[smem:$0x3FD2] =	sst s25  }
0xa6: {  	s4 =	sshll.u32 s26, $0x1;
	_ =	strace $0x80000046;
	[dreg:$0x1] =	wrdreg $0xFFFFFFFF  }
0xa7: {  	s28 =	simm.s32 $_size_execute0_lowered;
	s2 =	sadd.s32 s2, s4;
	[dreg:$0x0] =	wrdreg $0x0  }
0xa8: {  	s4 =	sshll.u32 s28, $0x1;
	[dreg:$0x2] =	wrdreg s2  }
0xa9: {  	[dreg:$0x3] =	wrdreg s4  }
0xaa: {  	[dreg:$0x4] =	wrdreg $0xC0  }
0xab: {  	_ =	task [dreg:s6], $0x5FFFF  }
0xac: {  	[dreg:$0x1] =	wrdreg $0xFFFFFFFF  }
0xad: {  	[dreg:$0x0] =	wrdreg $0x60  }
0xae: {  	[dreg:$0x2] =	wrdreg s24  }
0xaf: {  	[dreg:$0x3] =	wrdreg $0x9  }
0xb0: {  	_ =	task.clear_ibuf [dreg:s6], $0x4FFFF;
	_ =	strace $0x90000046  }
0xb1: {  	s29 =	simm.s32 $0x9;
	_ =	strace $0x80000048  }
0xb2: {  	_ =	swait.ge [sflag:s29], $0x1  }
0xb3: {  	[sflag:s29] =	ssyncadd.s32 $0xFFFFFFFF  }
0xb4: {  	_ =	strace $0x90000048  }
0xb5: {  	_ =	sfence  }
0xb6: {  	s30 =	sld [smem:$0x0];
	_ =	sdelay $0x2  }
0xb7: {  	s31 =	sshll.u32 s1, $0xD;
	s1 =	sshrl.u32 s1, $0x2  }
0xb8: {  	s3 =	sand.u32 $0x4000, s31;
	s1 =	sadd.s32 s1, s30  }
0xb9: {  	s0 =	sor.u32 s3, s0;
	s1 =	sshll.u32 s1, $0x11  }
0xba: {  	s0 =	sor.u32 s1, s0  }
0xbb: {  	s0 =	sadd.s32 $0x8F2B, s0  }
0xbc: {  	[sflag:s0] =	ssyncadd.remote.s32 $0x1  }
0xbd: {  	_ =	sfence.sel $0xFFFF  }
0xbe: {  	[dreg:$0x0] =	wrdreg $0xFFFFFFFF;
	(pc) =	sbr.abs _section_cstart, $3  }
0xbf: {  	[dreg:$0x1] =	wrdreg $0xFFFFFFFF  }
0xc0: {  	_ =	task.clear_ibuf [dreg:s6], $0x2FFFF;
	_ =	strace $0x9FFFFFFF  }
0xc1: {  	(tm) =	ssettm $0x7FFFFFFF  }
tec
execute0_lowered:
.L_overlay_start_1:
0x0: {  	(tag) =	ssettag $0x1  }
0x1: {  	s0 =	srdreg.scid  }
0x2: {  	s3 =	stileid.u32;
	s4 =	rddreg [dreg:$0x0];
	s2 =	simm.s32 $0x0  }
0x3: {  	s7 =	simm.s32 $0x3;
	s8 =	simm.s32 $0x80;
	s12 =	simm.s32 $0x5900  }
0x4: {  	s13 =	simm.s32 $0x180;
	s14 =	simm.s32 $0x7900;
	s15 =	simm.s32 $0x200  }
0x5: {  	s16 =	simm.s32 $0x9900;
	s17 =	simm.s32 $0x280;
	s18 =	simm.s32 $0xB900  }
0x6: {  	s19 =	simm.s32 $0x300;
	s20 =	simm.s32 $0xD900;
	s21 =	simm.s32 $0xF900  }
0x7: {  	s22 =	simm.s32 $0x1;
	s23 =	simm.s32 $0x40;
	s24 =	simm.s32 $0x1C00  }
0x8: {  	s0 =	sand.u32 $0x1, s0;
	s1 =	sshll.u32 s3, $0x1;
	s3 =	smul.u32 $0x1C0000, s3  }
0x9: {  	s25 =	simm.s32 $0x2;
	[smem:$0x7FF] =	sst s2;
	s5 =	smul.u32 $0xE0000, s0  }
0xa: {  	s26 =	simm.s32 $0x0;
	s1 =	sor.u32 s0, s1;
	_ =	strace $0x80000047  }
0xb: {  	s0 =	ssub.s32 $0x2, s0;
	s1 =	smul.u32 $0x320, s1;
	s5 =	sadd.s32 s5, s3  }
0xc: {  	s6 =	sshrl.u32 s0, $0x1;
	s3 =	sadd.s32 $0x6800, s4;
	s5 =	sshrl.u32 s5, $0x3  }
0xd: {  	s0 =	ssub.s32 s0, s6;
	s1 =	sadd.s32 s1, s4;
	s31 =	sadd.s32 s5, s4  }
0xe: {  	s4 =	sadd.s32 $0x400, s1;
	s5 =	smax.u32 s0, $0x1;
	s6 =	sadd.s32 $0xC9E00, s31  }
.LBB2_1:
0xf: {  	[tilespmem:s2], [sflag:$0x3] =	stream.linear.gather [hbm4b:s4+s2], $0x1900, $0x38;
	[tilespmem:$0x11900] =	vst v63  }
0x10: {  	_ =	swait.ge [sflag:s7], $0x1900  }
0x11: {  	[sflag:s7] =	ssyncset.done $0x0  }
0x12: {  	s0 =	simm.s32 $0x1900;
	[sflag:s7] =	ssyncadd.s32 $0xFFFFE700  }
0x13: {  	[tilespmem:s0], [sflag:$0x1] =	stream.indirect.gather [hbm4b:s3+s8], $0x40, s2, s8, $0xb8;
	[tilespmem:$0x11900] =	vst v63  }
0x14: {  	s9 =	simm.s32 $0x3900  }
0x15: {  	[tilespmem:s9], [sflag:$0x1] =	stream.indirect.gather [hbm4b:s3+s8], $0x40, s8, s8, $0xb8;
	[tilespmem:$0x11900] =	vst v63  }
0x16: {  	s10 =	simm.s32 $0x100  }
0x17: {  	[tilespmem:s12], [sflag:$0x1] =	stream.indirect.gather [hbm4b:s3+s8], $0x40, s10, s8, $0xb8;
	[tilespmem:$0x11900] =	vst v63  }
0x18: {  	_ = 	snop  }
0x19: {  	[tilespmem:s14], [sflag:$0x1] =	stream.indirect.gather [hbm4b:s3+s8], $0x40, s13, s8, $0xb8;
	[tilespmem:$0x11900] =	vst v63  }
0x1a: {  	_ = 	snop  }
0x1b: {  	[tilespmem:s16], [sflag:$0x1] =	stream.indirect.gather [hbm4b:s3+s8], $0x40, s15, s8, $0xb8;
	[tilespmem:$0x11900] =	vst v63  }
0x1c: {  	_ = 	snop  }
0x1d: {  	[tilespmem:s18], [sflag:$0x1] =	stream.indirect.gather [hbm4b:s3+s8], $0x40, s17, s8, $0xb8;
	[tilespmem:$0x11900] =	vst v63  }
0x1e: {  	_ = 	snop  }
0x1f: {  	[tilespmem:s20], [sflag:$0x1] =	stream.indirect.gather [hbm4b:s3+s8], $0x40, s19, s8, $0xb8;
	[tilespmem:$0x11900] =	vst v63  }
0x20: {  	s28 =	simm.s32 $0x380;
	s11 =	sand.u32 $0x38000, s2  }
0x21: {  	[tilespmem:s21], [sflag:$0x1] =	stream.indirect.gather [hbm4b:s3+s8], $0x40, s28, s8, $0xb8;
	[tilespmem:$0x11900] =	vst v63  }
0x22: {  	p0 =	por $0x1, $0x1;
	s29 =	simm.s32 $0x0;
	_ =	swait.ge [sflag:s22], $0x2000  }
0x23: {  	s30 =	simm.s32 $0x8000;
	s0 =	sshrl.u32 s11, $0x2;
	[sflag:s22] =	ssyncset.done $0x0  }
0x24: {  	s31 =	sadd.s32 $0x10, s6;
	s0 =	sor.u32 $0x1900, s0;
	[sflag:s22] =	ssyncadd.s32 $0xFFFFE000  }
0x25: {  	[hbm4b:s6+s23] =	stream.strided.scatter [tilespmem:s0], [sflag:$0x2], $0x2000, s24, s23, $0x38;
	[tilespmem:$0x11900] =	vst v63  }
0x26: {  	s1 =	simm.s32 $0x10000;
	s9 =	simm.s32 @!p0 $0x2;
	s0 =	simm.s32 $0xE000  }
0x27: {  	s11 =	simm.s32 @!p0 $0x80;
	s0 =	sand.u32 @!p0 $0xE000, s0;
	_ =	swait.ge @!p0 [sflag:s9], $0x2000  }
0x28: {  	s10 =	sor.u32 @!p0 $0x1900, s0;
	[sflag:s9] =	ssyncset.done @!p0 $0x0;
	s0 =	simm.s32 $0x380  }
.LBB2_2:
0x29: {  	[sflag:s9] =	ssyncadd.s32 @!p0 $0xFFFFE000  }
0x2a: {  	s28 =	sadd.s32 $0x80, s28;
	s9 =	smov.u32 s29;
	s29 =	sadd.s32 $0x1, s29  }
0x2b: {  	[tilespmem:s10], [sflag:$0x1] =	stream.indirect.gather @!p0 [hbm4b:s3+s11], $0x40, s0, s11, $0xb8;
	[tilespmem:$0x11900] =	vst v63  }
0x2c: {  	p1 =	sne.s32 s29, $0x31;
	s0 =	smov.u32 s28  }
0x2d: {  	s10 =	sand.u32 $0x38000, s30;
	_ =	swait.ge [sflag:s22], $0x2000  }
0x2e: {  	p0 =	sgt.u32 s9, $0x29;
	s10 =	sshrl.u32 s10, $0x2;
	[sflag:s22] =	ssyncset.done $0x0  }
.Ltmp0:
0x2f: {  	s10 =	sor.u32 $0x1900, s10;
	[sflag:s22] =	ssyncadd.s32 $0xFFFFE000;
	(pc) =	sbr.rel @p1 .LBB2_2-.Ltmp0, $4  }
0x30: {  	[hbm4b:s31+s23] =	stream.strided.scatter [tilespmem:s10], [sflag:$0x2], $0x2000, s24, s23, $0x38;
	[tilespmem:$0x11900] =	vst v63  }
0x31: {  	s30 =	sadd.s32 $0x8000, s30;
	s9 =	simm.s32 @!p0 $0x2;
	s10 =	sand.u32 @!p0 $0xE000, s1  }
0x32: {  	s31 =	sadd.s32 $0x10, s31;
	s10 =	sor.u32 @!p0 $0x1900, s10;
	_ =	swait.ge @!p0 [sflag:s9], $0x2000  }
0x33: {  	s11 =	simm.s32 @!p0 $0x80;
	s1 =	sadd.s32 $0x2000, s1;
	[sflag:s9] =	ssyncset.done @!p0 $0x0  }
0x34: {  	[sflag:s9] =	ssyncadd.s32 @!p0 $0xFFFFE000  }
0x35: {  	[tilespmem:s10], [sflag:$0x1] =	stream.indirect.gather @!p0 [hbm4b:s3+s11], $0x40, s0, s11, $0xb8;
	[tilespmem:$0x11900] =	vst v63  }
0x36: {  	_ =	swait.ge [sflag:s25], $0x2000  }
0x37: {  	[sflag:s25] =	ssyncset.done $0x0  }
0x38: {  	[sflag:s25] =	ssyncadd.s32 $0xFFFFE000  }
0x39: {  	_ =	swait.ge [sflag:s25], $0x2000  }
0x3a: {  	[sflag:s25] =	ssyncset.done $0x0  }
0x3b: {  	[sflag:s25] =	ssyncadd.s32 $0xFFFFE000  }
0x3c: {  	_ =	swait.ge [sflag:s25], $0x2000  }
0x3d: {  	[sflag:s25] =	ssyncset.done $0x0  }
0x3e: {  	[sflag:s25] =	ssyncadd.s32 $0xFFFFE000  }
0x3f: {  	_ =	swait.ge [sflag:s25], $0x2000  }
0x40: {  	[sflag:s25] =	ssyncset.done $0x0  }
0x41: {  	[sflag:s25] =	ssyncadd.s32 $0xFFFFE000  }
0x42: {  	_ =	swait.ge [sflag:s25], $0x2000  }
0x43: {  	[sflag:s25] =	ssyncset.done $0x0  }
0x44: {  	[sflag:s25] =	ssyncadd.s32 $0xFFFFE000  }
0x45: {  	_ =	swait.ge [sflag:s25], $0x2000  }
0x46: {  	[sflag:s25] =	ssyncset.done $0x0  }
0x47: {  	s26 =	sadd.s32 $0x1, s26;
	[sflag:s25] =	ssyncadd.s32 $0xFFFFE000  }
0x48: {  	p0 =	sne.s32 s26, s5;
	_ =	swait.ge [sflag:s25], $0x2000  }
.Ltmp1:
0x49: {  	[sflag:s25] =	ssyncset.done $0x0;
	(pc) =	sbr.rel @p0 .LBB2_1-.Ltmp1, $4  }
0x4a: {  	[sflag:s25] =	ssyncadd.s32 $0xFFFFE000  }
0x4b: {  	_ =	swait.ge [sflag:s25], $0x2000  }
0x4c: {  	[sflag:s25] =	ssyncset.done $0x0  }
0x4d: {  	[sflag:s25] =	ssyncadd.s32 $0xFFFFE000  }
0x4e: {  	_ =	sfence.sel $0x180000  }
0x4f: {  	[bflag:$0x0] =	sbarrier.arrive $0xFFFF  }
0x50: {  	_ =	strace $0x90000047  }
0x51: {  	s0 =	stileid.u32;
	[bflag:$0x2] =	sbarrier.arrive $0xFFFF  }
0x52: {  	p0 =	sne.s32 s0, $0x0;
	s0 =	rddreg [dreg:$0x1]  }
0x53: {  	s0 =	sadd.s32 @!p0 $0x100000, s0  }
0x54: {  	[sflag:s0] =	ssyncadd.tile.s32 @!p0 $0x1;
	_ =	shalt  }
.Lfunc_end2:
_tile_overlayer_lowered:
.L_overlay_start_2:
0x55: {  	(tag) =	ssettag $0x2  }
0x56: {  	s0 =	rddreg [dreg:$0x0];
	s2 =	stileid.u32  }
0x57: {  	s1 =	rddreg [dreg:$0x1];
	p0 =	sne.s32 s2, $0x0  }
0x58: {  	s3 =	rddreg [dreg:$0x2];
	[bflag:$0x3] =	sbarrier.arrive $0xFFFF;
	s2 =	simm.s32 @!p0 $0x1C03  }
0x59: {  	[timem:s3], [sflag:s2] =	dma.local @!p0 [hbm:s0], s1  }
0x5a: {  	s0 =	simm.s32 @!p0 $0x3  }
0x5b: {  	_ =	swait.ge @!p0 [sflag:s0], s1  }
0x5c: {  	s1 =	ssub.s32 @!p0 $0x0, s1;
	[sflag:s0] =	ssyncset.done @!p0 $0x0  }
0x5d: {  	[sflag:s0] =	ssyncadd.s32 @!p0 s1  }
0x5e: {  	[bflag:$0x3] =	sbarrier.arrive $0xFFFF  }
0x5f: {  	_ =	shalt  }

</sc_bundles>
